<compile_context>
chip_gen: v7x
topology: tpu7x:2x2x1
jax: 0.10.2.dev20260603
libtpu: 0.0.44.dev20260713+nightly
codegen_flags: <defaults>
</compile_context>

<pallas_src>
import functools

import jax
import jax.numpy as jnp
from jax import lax
from jax.experimental import pallas as pl
from jax.experimental.pallas import tpu as pltpu
from jax.experimental.pallas import tpu_sc as plsc

_B, _N, _D, _R, _C = 64, 8192, 128, 5, 5
_L = 16
_NW = 32
_NSPLIT = 1
_BC = _B // _NSPLIT
_RPW = _BC // _NW


_RB = 2


def _score_body(xa_ref, xb_ref, w_ref, o_ref):
    w = w_ref[...]
    for r in range(_RB):
        o_ref[r, 0, : _N // 2] = lax.dot_general(
            w, xa_ref[r], (((1,), (1,)), ((), ())),
            preferred_element_type=jnp.float32)[0]
        o_ref[r, 0, _N // 2 :] = lax.dot_general(
            w, xb_ref[r], (((1,), (1,)), ((), ())),
            preferred_element_type=jnp.float32)[0]


def _scores(x, w1row, off):
    return pl.pallas_call(
        _score_body,
        grid=(_BC // _RB,),
        in_specs=[
            pl.BlockSpec((_RB, _N // 2, _D), lambda b: (b + off, 0, 0)),
            pl.BlockSpec((_RB, _N // 2, _D), lambda b: (b + off, 1, 0)),
            pl.BlockSpec((1, _D), lambda b: (0, 0)),
        ],
        out_specs=pl.BlockSpec((_RB, 1, _N), lambda b: (b, 0, 0)),
        out_shape=jax.ShapeDtypeStruct((_BC, 1, _N), jnp.float32),
    )(x, x, w1row)


def _insert(lists, v):
    t0, t1, t2, t3, t4, u0, u1, u2, u3, u4 = lists
    a = v
    m = jnp.maximum(t0, a); a = jnp.minimum(t0, a); t0 = m
    m = jnp.maximum(t1, a); a = jnp.minimum(t1, a); t1 = m
    m = jnp.maximum(t2, a); a = jnp.minimum(t2, a); t2 = m
    m = jnp.maximum(t3, a); a = jnp.minimum(t3, a); t3 = m
    t4 = jnp.maximum(t4, a)
    b = v
    m = jnp.minimum(u0, b); b = jnp.maximum(u0, b); u0 = m
    m = jnp.minimum(u1, b); b = jnp.maximum(u1, b); u1 = m
    m = jnp.minimum(u2, b); b = jnp.maximum(u2, b); u2 = m
    m = jnp.minimum(u3, b); b = jnp.maximum(u3, b); u3 = m
    u4 = jnp.minimum(u4, b)
    return (t0, t1, t2, t3, t4, u0, u1, u2, u3, u4)


def _extract_feat(lists, lane, neg, pos, zeros):
    t0, t1, t2, t3, t4, u0, u1, u2, u3, u4 = lists
    fv = jnp.where(lane == 2 * _R, jnp.float32(1.0), zeros)
    for k in range(_R):
        m = jnp.max(t0)
        fv = jnp.where(lane == k, m, fv)
        sel = lane == plsc.all_reduce_ffs(t0 == m)
        t0 = jnp.where(sel, t1, t0)
        t1 = jnp.where(sel, t2, t1)
        t2 = jnp.where(sel, t3, t2)
        t3 = jnp.where(sel, t4, t3)
        t4 = jnp.where(sel, neg, t4)
    for k in range(_R):
        m = jnp.min(u0)
        fv = jnp.where(lane == 2 * _R - 1 - k, m, fv)
        sel = lane == plsc.all_reduce_ffs(u0 == m)
        u0 = jnp.where(sel, u1, u0)
        u1 = jnp.where(sel, u2, u1)
        u2 = jnp.where(sel, u3, u2)
        u3 = jnp.where(sel, u4, u3)
        u4 = jnp.where(sel, pos, u4)
    return fv


_NHALF = _N // 2


def _sc_topk_body(s_hbm, w2_hbm, out_hbm, s_v, w2_v, out_v,
                  sem0, sem1, sem2, sem3):
    cid = lax.axis_index("c")
    sid = lax.axis_index("s")
    wid = sid * 2 + cid
    base = wid * (_RPW * _N)
    c0 = pltpu.async_copy(s_hbm.at[pl.ds(base, _NHALF)],
                          s_v.at[pl.ds(0, _NHALF)], sem0)
    c1 = pltpu.async_copy(s_hbm.at[pl.ds(base + _N, _NHALF)],
                          s_v.at[pl.ds(_N, _NHALF)], sem1)
    c2 = pltpu.async_copy(s_hbm.at[pl.ds(base + _NHALF, _NHALF)],
                          s_v.at[pl.ds(_NHALF, _NHALF)], sem2)
    c3 = pltpu.async_copy(s_hbm.at[pl.ds(base + _N + _NHALF, _NHALF)],
                          s_v.at[pl.ds(_N + _NHALF, _NHALF)], sem3)
    pltpu.sync_copy(w2_hbm, w2_v)

    neg = jnp.full((_L,), -jnp.inf, jnp.float32)
    pos = jnp.full((_L,), jnp.inf, jnp.float32)
    zeros = jnp.zeros((_L,), jnp.float32)
    lane = lax.iota(jnp.int32, _L)

    def step(i, carry):
        r0, r1 = carry
        v0 = s_v[pl.ds(i * _L, _L)]
        v1 = s_v[pl.ds(_N + i * _L, _L)]
        return (_insert(r0, v0), _insert(r1, v1))

    init = ((neg,) * 5 + (pos,) * 5, (neg,) * 5 + (pos,) * 5)
    c0.wait()
    c1.wait()
    carry = lax.fori_loop(0, _NHALF // _L, step, init, unroll=4)
    c2.wait()
    c3.wait()
    carry = lax.fori_loop(_NHALF // _L, _N // _L, step, carry, unroll=4)

    for rl in range(_RPW):
        fv = _extract_feat(carry[rl], lane, neg, pos, zeros)
        ov = zeros
        for c in range(_C):
            w = w2_v[pl.ds(c * _L, _L)]
            ov = jnp.where(lane == c, jnp.sum(fv * w), ov)
        out_v[pl.ds(rl * _L, _L)] = ov

    pltpu.sync_copy(out_v, out_hbm.at[pl.ds(wid * (_RPW * _L), _RPW * _L)])


@functools.cache
def _sc_topk():
    return functools.partial(
        pl.kernel,
        mesh=plsc.VectorSubcoreMesh(core_axis_name="c", subcore_axis_name="s"),
        compiler_params=pltpu.CompilerParams(
            needs_layout_passes=False,
            disable_bounds_checks=True,
            disable_semaphore_checks=True,
        ),
        out_type=jax.ShapeDtypeStruct((_BC * _L,), jnp.float32),
        scratch_types=[
            pltpu.VMEM((_RPW * _N,), jnp.float32),
            pltpu.VMEM((_C * _L,), jnp.float32),
            pltpu.VMEM((_RPW * _L,), jnp.float32),
            pltpu.SemaphoreType.DMA,
            pltpu.SemaphoreType.DMA,
            pltpu.SemaphoreType.DMA,
            pltpu.SemaphoreType.DMA,
        ],
    )(_sc_topk_body)


def kernel(x, W1, b1, W2, b2):
    w2p = jnp.concatenate(
        [W2, (b2 + b1[0] * jnp.sum(W2, axis=1))[:, None],
         jnp.zeros((_C, _L - 2 * _R - 1), jnp.float32)], axis=1).reshape(-1)
    sc = _sc_topk()
    outs = []
    for i in range(_NSPLIT):
        s = _scores(x, W1, i * _BC)
        outs.append(sc(s.reshape(-1), w2p))
    out16 = jnp.concatenate(outs)
    return out16.reshape(_B, _L)[:, :_C]

# --- scband reference (transcript-rebuilt; emitter-appended) ---
"""Pipeline reference for scband-chowder-network-79852031967565 (READ-ONLY COPY).

The authoritative reference and input builder live on the scoring server;
editing this copy changes nothing except your own understanding.
"""

import jax, jax.numpy as jnp
import numpy as np

B, N, D, R, C = 64, 8192, 128, 5, 5


def setup_inputs(seed: int = 0) -> dict:
    key = jax.random.key(seed)
    k1, k2, k3, k4 = jax.random.split(key, 4)
    x = jax.random.normal(k1, (B, N, D), dtype=jnp.float32)
    # conv1d is actually nn.Linear(in_features=D, out_features=1)
    W1 = jax.random.normal(k2, (1, D), dtype=jnp.float32) * (1.0 / np.sqrt(D))
    b1 = jnp.zeros((1,), dtype=jnp.float32)
    # fc: Linear(2*r -> num_classes)
    W2 = jax.random.normal(k3, (C, 2 * R), dtype=jnp.float32) * (1.0 / np.sqrt(2 * R))
    b2 = jnp.zeros((C,), dtype=jnp.float32)
    return {"x": x, "W1": W1, "b1": b1, "W2": W2, "b2": b2}


def reference(x, W1, b1, W2, b2):
    # x: [B, N, D] -> Linear(D -> 1)
    s = jnp.einsum('bnd,od->bno', x, W1) + b1  # [B, N, 1]
    s = jnp.squeeze(s, axis=-1)                # [B, N]
    # sort descending along tile dim (torch.sort descending=True)
    idx = jnp.argsort(-s, axis=-1)
    s_sorted = jnp.take_along_axis(s, idx, axis=-1)  # [B, N]
    # top-r and bottom-r instances
    feat = jnp.concatenate([s_sorted[..., :R], s_sorted[..., -R:]], axis=-1)  # [B, 2R]
    out = feat @ W2.T + b2  # [B, C]
    # dropout is identity in eval mode
    return out

if __name__ == "__main__":
    import jax
    _d = setup_inputs()
    print(jax.jit(kernel)(*tuple(_d.values())))

</pallas_src>

<mosaic_0001>
#map = affine_map<(d0, d1) -> (0)>
module attributes {stable_mosaic.version = 14 : i64} {
  func.func @_sc_topk_body(%arg0: i32, %arg1: i32, %arg2: memref<524288xf32, #tpu.memory_space<hbm>>, %arg3: memref<80xf32, #tpu.memory_space<hbm>>, %arg4: memref<1024xf32, #tpu.memory_space<hbm>>, %arg5: memref<16384xf32, #tpu.memory_space<vmem>>, %arg6: memref<80xf32, #tpu.memory_space<vmem>>, %arg7: memref<32xf32, #tpu.memory_space<vmem>>, %arg8: memref<!tpu.dma_semaphore, #tpu.memory_space<semaphore_mem>>, %arg9: memref<!tpu.dma_semaphore, #tpu.memory_space<semaphore_mem>>, %arg10: memref<!tpu.dma_semaphore, #tpu.memory_space<semaphore_mem>>, %arg11: memref<!tpu.dma_semaphore, #tpu.memory_space<semaphore_mem>>) attributes {dimension_semantics = [#tpu.dimension_semantics<core_parallel>, #tpu.dimension_semantics<subcore_parallel>], iteration_bounds = array<i64: 2, 16>, scalar_prefetch = 0 : i64, scratch_operands = 7 : i64, tpu.core_type = #tpu.core_type<sc_vector_subcore>, window_params = [{transform_indices = #map}, {transform_indices = #map}, {transform_indices = #map}]} {
    %mul3A = arith.constant 2 : i32
    %mul3A_0 = arith.muli %arg1, %mul3A : i32
    %add3A = arith.addi %mul3A_0, %arg0 : i32
    %mul3A_1 = arith.constant 16384 : i32
    %mul3A_2 = arith.muli %add3A, %mul3A_1 : i32
    %dma_start3A = arith.constant 0 : i32
    %dma_start3A_3 = tpu.memref_slice %arg5[%dma_start3A] : memref<16384xf32, #tpu.memory_space<vmem>> -> memref<4096xf32, #tpu.memory_space<vmem>>
    %dma_start3A_4 = tpu.memref_slice %arg2[%mul3A_2] : memref<524288xf32, #tpu.memory_space<hbm>> -> memref<4096xf32, #tpu.memory_space<hbm>>
    %dma_start3A_5 = arith.constant 0 : i32
    %dma_start3A_6 = tpu.memref_slice %arg5[%dma_start3A_5] : memref<16384xf32, #tpu.memory_space<vmem>> -> memref<4096xf32, #tpu.memory_space<vmem>>
    %dma_start3A_7 = tpu.memref_slice %arg2[%mul3A_2] : memref<524288xf32, #tpu.memory_space<hbm>> -> memref<4096xf32, #tpu.memory_space<hbm>>
    tpu.enqueue_dma source(%dma_start3A_7 : memref<4096xf32, #tpu.memory_space<hbm>>) target(%dma_start3A_6 : memref<4096xf32, #tpu.memory_space<vmem>>) target_semaphore(%arg8 : memref<!tpu.dma_semaphore, #tpu.memory_space<semaphore_mem>>)
    %add3A_8 = arith.constant 8192 : i32
    %add3A_9 = arith.addi %mul3A_2, %add3A_8 : i32
    %dma_start3A_10 = arith.constant 8192 : i32
    %dma_start3A_11 = tpu.memref_slice %arg5[%dma_start3A_10] : memref<16384xf32, #tpu.memory_space<vmem>> -> memref<4096xf32, #tpu.memory_space<vmem>>
    %dma_start3A_12 = tpu.memref_slice %arg2[%add3A_9] : memref<524288xf32, #tpu.memory_space<hbm>> -> memref<4096xf32, #tpu.memory_space<hbm>>
    %dma_start3A_13 = arith.constant 8192 : i32
    %dma_start3A_14 = tpu.memref_slice %arg5[%dma_start3A_13] : memref<16384xf32, #tpu.memory_space<vmem>> -> memref<4096xf32, #tpu.memory_space<vmem>>
    %dma_start3A_15 = tpu.memref_slice %arg2[%add3A_9] : memref<524288xf32, #tpu.memory_space<hbm>> -> memref<4096xf32, #tpu.memory_space<hbm>>
    tpu.enqueue_dma source(%dma_start3A_15 : memref<4096xf32, #tpu.memory_space<hbm>>) target(%dma_start3A_14 : memref<4096xf32, #tpu.memory_space<vmem>>) target_semaphore(%arg9 : memref<!tpu.dma_semaphore, #tpu.memory_space<semaphore_mem>>)
    %add3A_16 = arith.constant 4096 : i32
    %add3A_17 = arith.addi %mul3A_2, %add3A_16 : i32
    %dma_start3A_18 = arith.constant 4096 : i32
    %dma_start3A_19 = tpu.memref_slice %arg5[%dma_start3A_18] : memref<16384xf32, #tpu.memory_space<vmem>> -> memref<4096xf32, #tpu.memory_space<vmem>>
    %dma_start3A_20 = tpu.memref_slice %arg2[%add3A_17] : memref<524288xf32, #tpu.memory_space<hbm>> -> memref<4096xf32, #tpu.memory_space<hbm>>
    %dma_start3A_21 = arith.constant 4096 : i32
    %dma_start3A_22 = tpu.memref_slice %arg5[%dma_start3A_21] : memref<16384xf32, #tpu.memory_space<vmem>> -> memref<4096xf32, #tpu.memory_space<vmem>>
    %dma_start3A_23 = tpu.memref_slice %arg2[%add3A_17] : memref<524288xf32, #tpu.memory_space<hbm>> -> memref<4096xf32, #tpu.memory_space<hbm>>
    tpu.enqueue_dma source(%dma_start3A_23 : memref<4096xf32, #tpu.memory_space<hbm>>) target(%dma_start3A_22 : memref<4096xf32, #tpu.memory_space<vmem>>) target_semaphore(%arg10 : memref<!tpu.dma_semaphore, #tpu.memory_space<semaphore_mem>>)
    %add3A_24 = arith.constant 8192 : i32
    %add3A_25 = arith.addi %mul3A_2, %add3A_24 : i32
    %add3A_26 = arith.constant 4096 : i32
    %add3A_27 = arith.addi %add3A_25, %add3A_26 : i32
    %dma_start3A_28 = arith.constant 12288 : i32
    %dma_start3A_29 = tpu.memref_slice %arg5[%dma_start3A_28] : memref<16384xf32, #tpu.memory_space<vmem>> -> memref<4096xf32, #tpu.memory_space<vmem>>
    %dma_start3A_30 = tpu.memref_slice %arg2[%add3A_27] : memref<524288xf32, #tpu.memory_space<hbm>> -> memref<4096xf32, #tpu.memory_space<hbm>>
    %dma_start3A_31 = arith.constant 12288 : i32
    %dma_start3A_32 = tpu.memref_slice %arg5[%dma_start3A_31] : memref<16384xf32, #tpu.memory_space<vmem>> -> memref<4096xf32, #tpu.memory_space<vmem>>
    %dma_start3A_33 = tpu.memref_slice %arg2[%add3A_27] : memref<524288xf32, #tpu.memory_space<hbm>> -> memref<4096xf32, #tpu.memory_space<hbm>>
    tpu.enqueue_dma source(%dma_start3A_33 : memref<4096xf32, #tpu.memory_space<hbm>>) target(%dma_start3A_32 : memref<4096xf32, #tpu.memory_space<vmem>>) target_semaphore(%arg11 : memref<!tpu.dma_semaphore, #tpu.memory_space<semaphore_mem>>)
    "tpu.region"() ({
      %run_scoped3A = tpu.sem_alloc : memref<!tpu.dma_semaphore, #tpu.memory_space<semaphore_mem>>
      tpu.enqueue_dma source(%arg3 : memref<80xf32, #tpu.memory_space<hbm>>) target(%arg6 : memref<80xf32, #tpu.memory_space<vmem>>) target_semaphore(%run_scoped3A : memref<!tpu.dma_semaphore, #tpu.memory_space<semaphore_mem>>)
      tpu.wait_dma2 semaphore(%run_scoped3A : memref<!tpu.dma_semaphore, #tpu.memory_space<semaphore_mem>>) src(%arg3 : memref<80xf32, #tpu.memory_space<hbm>>) dst(%arg6 : memref<80xf32, #tpu.memory_space<vmem>>)
      tpu.yield
    }) : () -> ()
    %broadcast_in_dim3A = arith.constant 0xFF800000 : f32
    %broadcast_in_dim3A_34 = vector.broadcast %broadcast_in_dim3A : f32 to vector<16xf32>
    %broadcast_in_dim3A_35 = arith.constant 0x7F800000 : f32
    %broadcast_in_dim3A_36 = vector.broadcast %broadcast_in_dim3A_35 : f32 to vector<16xf32>
    %broadcast_in_dim3A_37 = arith.constant 0.000000e+00 : f32
    %broadcast_in_dim3A_38 = vector.broadcast %broadcast_in_dim3A_37 : f32 to vector<16xf32>
    %iota3A = tpu.iota {dimensions = array<i32: 0>} : vector<16xi32>
    %dma_wait3A = arith.constant 0 : i32
    %dma_wait3A_39 = tpu.memref_slice %arg5[%dma_wait3A] : memref<16384xf32, #tpu.memory_space<vmem>> -> memref<4096xf32, #tpu.memory_space<vmem>>
    %dma_wait3A_40 = tpu.memref_slice %arg2[%mul3A_2] : memref<524288xf32, #tpu.memory_space<hbm>> -> memref<4096xf32, #tpu.memory_space<hbm>>
    %dma_wait3A_41 = arith.constant 0 : i32
    %dma_wait3A_42 = tpu.memref_slice %arg5[%dma_wait3A_41] : memref<16384xf32, #tpu.memory_space<vmem>> -> memref<4096xf32, #tpu.memory_space<vmem>>
    %dma_wait3A_43 = tpu.memref_slice %arg2[%mul3A_2] : memref<524288xf32, #tpu.memory_space<hbm>> -> memref<4096xf32, #tpu.memory_space<hbm>>
    tpu.wait_dma2 semaphore(%arg8 : memref<!tpu.dma_semaphore, #tpu.memory_space<semaphore_mem>>) src(%dma_wait3A_43 : memref<4096xf32, #tpu.memory_space<hbm>>) dst(%dma_wait3A_42 : memref<4096xf32, #tpu.memory_space<vmem>>)
    %dma_wait3A_44 = arith.constant 8192 : i32
    %dma_wait3A_45 = tpu.memref_slice %arg5[%dma_wait3A_44] : memref<16384xf32, #tpu.memory_space<vmem>> -> memref<4096xf32, #tpu.memory_space<vmem>>
    %dma_wait3A_46 = tpu.memref_slice %arg2[%add3A_9] : memref<524288xf32, #tpu.memory_space<hbm>> -> memref<4096xf32, #tpu.memory_space<hbm>>
    %dma_wait3A_47 = arith.constant 8192 : i32
    %dma_wait3A_48 = tpu.memref_slice %arg5[%dma_wait3A_47] : memref<16384xf32, #tpu.memory_space<vmem>> -> memref<4096xf32, #tpu.memory_space<vmem>>
    %dma_wait3A_49 = tpu.memref_slice %arg2[%add3A_9] : memref<524288xf32, #tpu.memory_space<hbm>> -> memref<4096xf32, #tpu.memory_space<hbm>>
    tpu.wait_dma2 semaphore(%arg9 : memref<!tpu.dma_semaphore, #tpu.memory_space<semaphore_mem>>) src(%dma_wait3A_49 : memref<4096xf32, #tpu.memory_space<hbm>>) dst(%dma_wait3A_48 : memref<4096xf32, #tpu.memory_space<vmem>>)
    %scan3A = arith.constant 0 : i32
    %scan3A_50 = arith.constant 256 : i32
    %scan3A_51 = arith.addi %scan3A, %scan3A_50 : i32
    %scan3A_52 = arith.constant 4 : i32
    %scan3A_53:20 = scf.for %scan3A_562 = %scan3A to %scan3A_51 step %scan3A_52 iter_args(%scan3A_563 = %broadcast_in_dim3A_34, %scan3A_564 = %broadcast_in_dim3A_34, %scan3A_565 = %broadcast_in_dim3A_34, %scan3A_566 = %broadcast_in_dim3A_34, %scan3A_567 = %broadcast_in_dim3A_34, %scan3A_568 = %broadcast_in_dim3A_36, %scan3A_569 = %broadcast_in_dim3A_36, %scan3A_570 = %broadcast_in_dim3A_36, %scan3A_571 = %broadcast_in_dim3A_36, %scan3A_572 = %broadcast_in_dim3A_36, %scan3A_573 = %broadcast_in_dim3A_34, %scan3A_574 = %broadcast_in_dim3A_34, %scan3A_575 = %broadcast_in_dim3A_34, %scan3A_576 = %broadcast_in_dim3A_34, %scan3A_577 = %broadcast_in_dim3A_34, %scan3A_578 = %broadcast_in_dim3A_36, %scan3A_579 = %broadcast_in_dim3A_36, %scan3A_580 = %broadcast_in_dim3A_36, %scan3A_581 = %broadcast_in_dim3A_36, %scan3A_582 = %broadcast_in_dim3A_36) -> (vector<16xf32>, vector<16xf32>, vector<16xf32>, vector<16xf32>, vector<16xf32>, vector<16xf32>, vector<16xf32>, vector<16xf32>, vector<16xf32>, vector<16xf32>, vector<16xf32>, vector<16xf32>, vector<16xf32>, vector<16xf32>, vector<16xf32>, vector<16xf32>, vector<16xf32>, vector<16xf32>, vector<16xf32>, vector<16xf32>)  : i32 {
      %mul3A_583 = arith.constant 16 : i32
      %mul3A_584 = arith.muli %scan3A_562, %mul3A_583 : i32
      %get3A_585 = arith.index_cast %mul3A_584 : i32 to index
      %get3A_586 = tpu.vector_load %arg5[%get3A_585] {strides = array<i32>} : memref<16384xf32, #tpu.memory_space<vmem>>, vector<16xf32>,
      %mul3A_587 = arith.constant 16 : i32
      %mul3A_588 = arith.muli %scan3A_562, %mul3A_587 : i32
      %add3A_589 = arith.constant 8192 : i32
      %add3A_590 = arith.addi %add3A_589, %mul3A_588 : i32
      %get3A_591 = arith.index_cast %add3A_590 : i32 to index
      %get3A_592 = tpu.vector_load %arg5[%get3A_591] {strides = array<i32>} : memref<16384xf32, #tpu.memory_space<vmem>>, vector<16xf32>,
      %max3A = arith.maximumf %scan3A_563, %get3A_586 : vector<16xf32>
      %min3A = arith.minimumf %scan3A_563, %get3A_586 : vector<16xf32>
      %max3A_593 = arith.maximumf %scan3A_564, %min3A : vector<16xf32>
      %min3A_594 = arith.minimumf %scan3A_564, %min3A : vector<16xf32>
      %max3A_595 = arith.maximumf %scan3A_565, %min3A_594 : vector<16xf32>
      %min3A_596 = arith.minimumf %scan3A_565, %min3A_594 : vector<16xf32>
      %max3A_597 = arith.maximumf %scan3A_566, %min3A_596 : vector<16xf32>
      %min3A_598 = arith.minimumf %scan3A_566, %min3A_596 : vector<16xf32>
      %max3A_599 = arith.maximumf %scan3A_567, %min3A_598 : vector<16xf32>
      %min3A_600 = arith.minimumf %scan3A_568, %get3A_586 : vector<16xf32>
      %max3A_601 = arith.maximumf %scan3A_568, %get3A_586 : vector<16xf32>
      %min3A_602 = arith.minimumf %scan3A_569, %max3A_601 : vector<16xf32>
      %max3A_603 = arith.maximumf %scan3A_569, %max3A_601 : vector<16xf32>
      %min3A_604 = arith.minimumf %scan3A_570, %max3A_603 : vector<16xf32>
      %max3A_605 = arith.maximumf %scan3A_570, %max3A_603 : vector<16xf32>
      %min3A_606 = arith.minimumf %scan3A_571, %max3A_605 : vector<16xf32>
      %max3A_607 = arith.maximumf %scan3A_571, %max3A_605 : vector<16xf32>
      %min3A_608 = arith.minimumf %scan3A_572, %max3A_607 : vector<16xf32>
      %max3A_609 = arith.maximumf %scan3A_573, %get3A_592 : vector<16xf32>
      %min3A_610 = arith.minimumf %scan3A_573, %get3A_592 : vector<16xf32>
      %max3A_611 = arith.maximumf %scan3A_574, %min3A_610 : vector<16xf32>
      %min3A_612 = arith.minimumf %scan3A_574, %min3A_610 : vector<16xf32>
      %max3A_613 = arith.maximumf %scan3A_575, %min3A_612 : vector<16xf32>
      %min3A_614 = arith.minimumf %scan3A_575, %min3A_612 : vector<16xf32>
      %max3A_615 = arith.maximumf %scan3A_576, %min3A_614 : vector<16xf32>
      %min3A_616 = arith.minimumf %scan3A_576, %min3A_614 : vector<16xf32>
      %max3A_617 = arith.maximumf %scan3A_577, %min3A_616 : vector<16xf32>
      %min3A_618 = arith.minimumf %scan3A_578, %get3A_592 : vector<16xf32>
      %max3A_619 = arith.maximumf %scan3A_578, %get3A_592 : vector<16xf32>
      %min3A_620 = arith.minimumf %scan3A_579, %max3A_619 : vector<16xf32>
      %max3A_621 = arith.maximumf %scan3A_579, %max3A_619 : vector<16xf32>
      %min3A_622 = arith.minimumf %scan3A_580, %max3A_621 : vector<16xf32>
      %max3A_623 = arith.maximumf %scan3A_580, %max3A_621 : vector<16xf32>
      %min3A_624 = arith.minimumf %scan3A_581, %max3A_623 : vector<16xf32>
      %max3A_625 = arith.maximumf %scan3A_581, %max3A_623 : vector<16xf32>
      %min3A_626 = arith.minimumf %scan3A_582, %max3A_625 : vector<16xf32>
      %scan3A_627 = arith.constant 1 : i32
      %scan3A_628 = arith.addi %scan3A_562, %scan3A_627 : i32
      %mul3A_629 = arith.constant 16 : i32
      %mul3A_630 = arith.muli %scan3A_628, %mul3A_629 : i32
      %get3A_631 = arith.index_cast %mul3A_630 : i32 to index
      %get3A_632 = tpu.vector_load %arg5[%get3A_631] {strides = array<i32>} : memref<16384xf32, #tpu.memory_space<vmem>>, vector<16xf32>,
      %mul3A_633 = arith.constant 16 : i32
      %mul3A_634 = arith.muli %scan3A_628, %mul3A_633 : i32
      %add3A_635 = arith.constant 8192 : i32
      %add3A_636 = arith.addi %add3A_635, %mul3A_634 : i32
      %get3A_637 = arith.index_cast %add3A_636 : i32 to index
      %get3A_638 = tpu.vector_load %arg5[%get3A_637] {strides = array<i32>} : memref<16384xf32, #tpu.memory_space<vmem>>, vector<16xf32>,
      %max3A_639 = arith.maximumf %max3A, %get3A_632 : vector<16xf32>
      %min3A_640 = arith.minimumf %max3A, %get3A_632 : vector<16xf32>
      %max3A_641 = arith.maximumf %max3A_593, %min3A_640 : vector<16xf32>
      %min3A_642 = arith.minimumf %max3A_593, %min3A_640 : vector<16xf32>
      %max3A_643 = arith.maximumf %max3A_595, %min3A_642 : vector<16xf32>
      %min3A_644 = arith.minimumf %max3A_595, %min3A_642 : vector<16xf32>
      %max3A_645 = arith.maximumf %max3A_597, %min3A_644 : vector<16xf32>
      %min3A_646 = arith.minimumf %max3A_597, %min3A_644 : vector<16xf32>
      %max3A_647 = arith.maximumf %max3A_599, %min3A_646 : vector<16xf32>
      %min3A_648 = arith.minimumf %min3A_600, %get3A_632 : vector<16xf32>
      %max3A_649 = arith.maximumf %min3A_600, %get3A_632 : vector<16xf32>
      %min3A_650 = arith.minimumf %min3A_602, %max3A_649 : vector<16xf32>
      %max3A_651 = arith.maximumf %min3A_602, %max3A_649 : vector<16xf32>
      %min3A_652 = arith.minimumf %min3A_604, %max3A_651 : vector<16xf32>
      %max3A_653 = arith.maximumf %min3A_604, %max3A_651 : vector<16xf32>
      %min3A_654 = arith.minimumf %min3A_606, %max3A_653 : vector<16xf32>
      %max3A_655 = arith.maximumf %min3A_606, %max3A_653 : vector<16xf32>
      %min3A_656 = arith.minimumf %min3A_608, %max3A_655 : vector<16xf32>
      %max3A_657 = arith.maximumf %max3A_609, %get3A_638 : vector<16xf32>
      %min3A_658 = arith.minimumf %max3A_609, %get3A_638 : vector<16xf32>
      %max3A_659 = arith.maximumf %max3A_611, %min3A_658 : vector<16xf32>
      %min3A_660 = arith.minimumf %max3A_611, %min3A_658 : vector<16xf32>
      %max3A_661 = arith.maximumf %max3A_613, %min3A_660 : vector<16xf32>
      %min3A_662 = arith.minimumf %max3A_613, %min3A_660 : vector<16xf32>
      %max3A_663 = arith.maximumf %max3A_615, %min3A_662 : vector<16xf32>
      %min3A_664 = arith.minimumf %max3A_615, %min3A_662 : vector<16xf32>
      %max3A_665 = arith.maximumf %max3A_617, %min3A_664 : vector<16xf32>
      %min3A_666 = arith.minimumf %min3A_618, %get3A_638 : vector<16xf32>
      %max3A_667 = arith.maximumf %min3A_618, %get3A_638 : vector<16xf32>
      %min3A_668 = arith.minimumf %min3A_620, %max3A_667 : vector<16xf32>
      %max3A_669 = arith.maximumf %min3A_620, %max3A_667 : vector<16xf32>
      %min3A_670 = arith.minimumf %min3A_622, %max3A_669 : vector<16xf32>
      %max3A_671 = arith.maximumf %min3A_622, %max3A_669 : vector<16xf32>
      %min3A_672 = arith.minimumf %min3A_624, %max3A_671 : vector<16xf32>
      %max3A_673 = arith.maximumf %min3A_624, %max3A_671 : vector<16xf32>
      %min3A_674 = arith.minimumf %min3A_626, %max3A_673 : vector<16xf32>
      %scan3A_675 = arith.constant 2 : i32
      %scan3A_676 = arith.addi %scan3A_562, %scan3A_675 : i32
      %mul3A_677 = arith.constant 16 : i32
      %mul3A_678 = arith.muli %scan3A_676, %mul3A_677 : i32
      %get3A_679 = arith.index_cast %mul3A_678 : i32 to index
      %get3A_680 = tpu.vector_load %arg5[%get3A_679] {strides = array<i32>} : memref<16384xf32, #tpu.memory_space<vmem>>, vector<16xf32>,
      %mul3A_681 = arith.constant 16 : i32
      %mul3A_682 = arith.muli %scan3A_676, %mul3A_681 : i32
      %add3A_683 = arith.constant 8192 : i32
      %add3A_684 = arith.addi %add3A_683, %mul3A_682 : i32
      %get3A_685 = arith.index_cast %add3A_684 : i32 to index
      %get3A_686 = tpu.vector_load %arg5[%get3A_685] {strides = array<i32>} : memref<16384xf32, #tpu.memory_space<vmem>>, vector<16xf32>,
      %max3A_687 = arith.maximumf %max3A_639, %get3A_680 : vector<16xf32>
      %min3A_688 = arith.minimumf %max3A_639, %get3A_680 : vector<16xf32>
      %max3A_689 = arith.maximumf %max3A_641, %min3A_688 : vector<16xf32>
      %min3A_690 = arith.minimumf %max3A_641, %min3A_688 : vector<16xf32>
      %max3A_691 = arith.maximumf %max3A_643, %min3A_690 : vector<16xf32>
      %min3A_692 = arith.minimumf %max3A_643, %min3A_690 : vector<16xf32>
      %max3A_693 = arith.maximumf %max3A_645, %min3A_692 : vector<16xf32>
      %min3A_694 = arith.minimumf %max3A_645, %min3A_692 : vector<16xf32>
      %max3A_695 = arith.maximumf %max3A_647, %min3A_694 : vector<16xf32>
      %min3A_696 = arith.minimumf %min3A_648, %get3A_680 : vector<16xf32>
      %max3A_697 = arith.maximumf %min3A_648, %get3A_680 : vector<16xf32>
      %min3A_698 = arith.minimumf %min3A_650, %max3A_697 : vector<16xf32>
      %max3A_699 = arith.maximumf %min3A_650, %max3A_697 : vector<16xf32>
      %min3A_700 = arith.minimumf %min3A_652, %max3A_699 : vector<16xf32>
      %max3A_701 = arith.maximumf %min3A_652, %max3A_699 : vector<16xf32>
      %min3A_702 = arith.minimumf %min3A_654, %max3A_701 : vector<16xf32>
      %max3A_703 = arith.maximumf %min3A_654, %max3A_701 : vector<16xf32>
      %min3A_704 = arith.minimumf %min3A_656, %max3A_703 : vector<16xf32>
      %max3A_705 = arith.maximumf %max3A_657, %get3A_686 : vector<16xf32>
      %min3A_706 = arith.minimumf %max3A_657, %get3A_686 : vector<16xf32>
      %max3A_707 = arith.maximumf %max3A_659, %min3A_706 : vector<16xf32>
      %min3A_708 = arith.minimumf %max3A_659, %min3A_706 : vector<16xf32>
      %max3A_709 = arith.maximumf %max3A_661, %min3A_708 : vector<16xf32>
      %min3A_710 = arith.minimumf %max3A_661, %min3A_708 : vector<16xf32>
      %max3A_711 = arith.maximumf %max3A_663, %min3A_710 : vector<16xf32>
      %min3A_712 = arith.minimumf %max3A_663, %min3A_710 : vector<16xf32>
      %max3A_713 = arith.maximumf %max3A_665, %min3A_712 : vector<16xf32>
      %min3A_714 = arith.minimumf %min3A_666, %get3A_686 : vector<16xf32>
      %max3A_715 = arith.maximumf %min3A_666, %get3A_686 : vector<16xf32>
      %min3A_716 = arith.minimumf %min3A_668, %max3A_715 : vector<16xf32>
      %max3A_717 = arith.maximumf %min3A_668, %max3A_715 : vector<16xf32>
      %min3A_718 = arith.minimumf %min3A_670, %max3A_717 : vector<16xf32>
      %max3A_719 = arith.maximumf %min3A_670, %max3A_717 : vector<16xf32>
      %min3A_720 = arith.minimumf %min3A_672, %max3A_719 : vector<16xf32>
      %max3A_721 = arith.maximumf %min3A_672, %max3A_719 : vector<16xf32>
      %min3A_722 = arith.minimumf %min3A_674, %max3A_721 : vector<16xf32>
      %scan3A_723 = arith.constant 3 : i32
      %scan3A_724 = arith.addi %scan3A_562, %scan3A_723 : i32
      %mul3A_725 = arith.constant 16 : i32
      %mul3A_726 = arith.muli %scan3A_724, %mul3A_725 : i32
      %get3A_727 = arith.index_cast %mul3A_726 : i32 to index
      %get3A_728 = tpu.vector_load %arg5[%get3A_727] {strides = array<i32>} : memref<16384xf32, #tpu.memory_space<vmem>>, vector<16xf32>,
      %mul3A_729 = arith.constant 16 : i32
      %mul3A_730 = arith.muli %scan3A_724, %mul3A_729 : i32
      %add3A_731 = arith.constant 8192 : i32
      %add3A_732 = arith.addi %add3A_731, %mul3A_730 : i32
      %get3A_733 = arith.index_cast %add3A_732 : i32 to index
      %get3A_734 = tpu.vector_load %arg5[%get3A_733] {strides = array<i32>} : memref<16384xf32, #tpu.memory_space<vmem>>, vector<16xf32>,
      %max3A_735 = arith.maximumf %max3A_687, %get3A_728 : vector<16xf32>
      %min3A_736 = arith.minimumf %max3A_687, %get3A_728 : vector<16xf32>
      %max3A_737 = arith.maximumf %max3A_689, %min3A_736 : vector<16xf32>
      %min3A_738 = arith.minimumf %max3A_689, %min3A_736 : vector<16xf32>
      %max3A_739 = arith.maximumf %max3A_691, %min3A_738 : vector<16xf32>
      %min3A_740 = arith.minimumf %max3A_691, %min3A_738 : vector<16xf32>
      %max3A_741 = arith.maximumf %max3A_693, %min3A_740 : vector<16xf32>
      %min3A_742 = arith.minimumf %max3A_693, %min3A_740 : vector<16xf32>
      %max3A_743 = arith.maximumf %max3A_695, %min3A_742 : vector<16xf32>
      %min3A_744 = arith.minimumf %min3A_696, %get3A_728 : vector<16xf32>
      %max3A_745 = arith.maximumf %min3A_696, %get3A_728 : vector<16xf32>
      %min3A_746 = arith.minimumf %min3A_698, %max3A_745 : vector<16xf32>
      %max3A_747 = arith.maximumf %min3A_698, %max3A_745 : vector<16xf32>
      %min3A_748 = arith.minimumf %min3A_700, %max3A_747 : vector<16xf32>
      %max3A_749 = arith.maximumf %min3A_700, %max3A_747 : vector<16xf32>
      %min3A_750 = arith.minimumf %min3A_702, %max3A_749 : vector<16xf32>
      %max3A_751 = arith.maximumf %min3A_702, %max3A_749 : vector<16xf32>
      %min3A_752 = arith.minimumf %min3A_704, %max3A_751 : vector<16xf32>
      %max3A_753 = arith.maximumf %max3A_705, %get3A_734 : vector<16xf32>
      %min3A_754 = arith.minimumf %max3A_705, %get3A_734 : vector<16xf32>
      %max3A_755 = arith.maximumf %max3A_707, %min3A_754 : vector<16xf32>
      %min3A_756 = arith.minimumf %max3A_707, %min3A_754 : vector<16xf32>
      %max3A_757 = arith.maximumf %max3A_709, %min3A_756 : vector<16xf32>
      %min3A_758 = arith.minimumf %max3A_709, %min3A_756 : vector<16xf32>
      %max3A_759 = arith.maximumf %max3A_711, %min3A_758 : vector<16xf32>
      %min3A_760 = arith.minimumf %max3A_711, %min3A_758 : vector<16xf32>
      %max3A_761 = arith.maximumf %max3A_713, %min3A_760 : vector<16xf32>
      %min3A_762 = arith.minimumf %min3A_714, %get3A_734 : vector<16xf32>
      %max3A_763 = arith.maximumf %min3A_714, %get3A_734 : vector<16xf32>
      %min3A_764 = arith.minimumf %min3A_716, %max3A_763 : vector<16xf32>
      %max3A_765 = arith.maximumf %min3A_716, %max3A_763 : vector<16xf32>
      %min3A_766 = arith.minimumf %min3A_718, %max3A_765 : vector<16xf32>
      %max3A_767 = arith.maximumf %min3A_718, %max3A_765 : vector<16xf32>
      %min3A_768 = arith.minimumf %min3A_720, %max3A_767 : vector<16xf32>
      %max3A_769 = arith.maximumf %min3A_720, %max3A_767 : vector<16xf32>
      %min3A_770 = arith.minimumf %min3A_722, %max3A_769 : vector<16xf32>
      scf.yield %max3A_735, %max3A_737, %max3A_739, %max3A_741, %max3A_743, %min3A_744, %min3A_746, %min3A_748, %min3A_750, %min3A_752, %max3A_753, %max3A_755, %max3A_757, %max3A_759, %max3A_761, %min3A_762, %min3A_764, %min3A_766, %min3A_768, %min3A_770 : vector<16xf32>, vector<16xf32>, vector<16xf32>, vector<16xf32>, vector<16xf32>, vector<16xf32>, vector<16xf32>, vector<16xf32>, vector<16xf32>, vector<16xf32>, vector<16xf32>, vector<16xf32>, vector<16xf32>, vector<16xf32>, vector<16xf32>, vector<16xf32>, vector<16xf32>, vector<16xf32>, vector<16xf32>, vector<16xf32>
    }
    %scan3A_54 = arith.constant 256 : i32
    %dma_wait3A_55 = arith.constant 4096 : i32
    %dma_wait3A_56 = tpu.memref_slice %arg5[%dma_wait3A_55] : memref<16384xf32, #tpu.memory_space<vmem>> -> memref<4096xf32, #tpu.memory_space<vmem>>
    %dma_wait3A_57 = tpu.memref_slice %arg2[%add3A_17] : memref<524288xf32, #tpu.memory_space<hbm>> -> memref<4096xf32, #tpu.memory_space<hbm>>
    %dma_wait3A_58 = arith.constant 4096 : i32
    %dma_wait3A_59 = tpu.memref_slice %arg5[%dma_wait3A_58] : memref<16384xf32, #tpu.memory_space<vmem>> -> memref<4096xf32, #tpu.memory_space<vmem>>
    %dma_wait3A_60 = tpu.memref_slice %arg2[%add3A_17] : memref<524288xf32, #tpu.memory_space<hbm>> -> memref<4096xf32, #tpu.memory_space<hbm>>
    tpu.wait_dma2 semaphore(%arg10 : memref<!tpu.dma_semaphore, #tpu.memory_space<semaphore_mem>>) src(%dma_wait3A_60 : memref<4096xf32, #tpu.memory_space<hbm>>) dst(%dma_wait3A_59 : memref<4096xf32, #tpu.memory_space<vmem>>)
    %dma_wait3A_61 = arith.constant 12288 : i32
    %dma_wait3A_62 = tpu.memref_slice %arg5[%dma_wait3A_61] : memref<16384xf32, #tpu.memory_space<vmem>> -> memref<4096xf32, #tpu.memory_space<vmem>>
    %dma_wait3A_63 = tpu.memref_slice %arg2[%add3A_27] : memref<524288xf32, #tpu.memory_space<hbm>> -> memref<4096xf32, #tpu.memory_space<hbm>>
    %dma_wait3A_64 = arith.constant 12288 : i32
    %dma_wait3A_65 = tpu.memref_slice %arg5[%dma_wait3A_64] : memref<16384xf32, #tpu.memory_space<vmem>> -> memref<4096xf32, #tpu.memory_space<vmem>>
    %dma_wait3A_66 = tpu.memref_slice %arg2[%add3A_27] : memref<524288xf32, #tpu.memory_space<hbm>> -> memref<4096xf32, #tpu.memory_space<hbm>>
    tpu.wait_dma2 semaphore(%arg11 : memref<!tpu.dma_semaphore, #tpu.memory_space<semaphore_mem>>) src(%dma_wait3A_66 : memref<4096xf32, #tpu.memory_space<hbm>>) dst(%dma_wait3A_65 : memref<4096xf32, #tpu.memory_space<vmem>>)
    %scan3A_67 = arith.constant 256 : i32
    %scan3A_68 = arith.constant 256 : i32
    %scan3A_69 = arith.addi %scan3A_67, %scan3A_68 : i32
    %scan3A_70 = arith.constant 4 : i32
    %scan3A_71:20 = scf.for %scan3A_562 = %scan3A_67 to %scan3A_69 step %scan3A_70 iter_args(%scan3A_563 = %scan3A_53#0, %scan3A_564 = %scan3A_53#1, %scan3A_565 = %scan3A_53#2, %scan3A_566 = %scan3A_53#3, %scan3A_567 = %scan3A_53#4, %scan3A_568 = %scan3A_53#5, %scan3A_569 = %scan3A_53#6, %scan3A_570 = %scan3A_53#7, %scan3A_571 = %scan3A_53#8, %scan3A_572 = %scan3A_53#9, %scan3A_573 = %scan3A_53#10, %scan3A_574 = %scan3A_53#11, %scan3A_575 = %scan3A_53#12, %scan3A_576 = %scan3A_53#13, %scan3A_577 = %scan3A_53#14, %scan3A_578 = %scan3A_53#15, %scan3A_579 = %scan3A_53#16, %scan3A_580 = %scan3A_53#17, %scan3A_581 = %scan3A_53#18, %scan3A_582 = %scan3A_53#19) -> (vector<16xf32>, vector<16xf32>, vector<16xf32>, vector<16xf32>, vector<16xf32>, vector<16xf32>, vector<16xf32>, vector<16xf32>, vector<16xf32>, vector<16xf32>, vector<16xf32>, vector<16xf32>, vector<16xf32>, vector<16xf32>, vector<16xf32>, vector<16xf32>, vector<16xf32>, vector<16xf32>, vector<16xf32>, vector<16xf32>)  : i32 {
      %mul3A_583 = arith.constant 16 : i32
      %mul3A_584 = arith.muli %scan3A_562, %mul3A_583 : i32
      %get3A_585 = arith.index_cast %mul3A_584 : i32 to index
      %get3A_586 = tpu.vector_load %arg5[%get3A_585] {strides = array<i32>} : memref<16384xf32, #tpu.memory_space<vmem>>, vector<16xf32>,
      %mul3A_587 = arith.constant 16 : i32
      %mul3A_588 = arith.muli %scan3A_562, %mul3A_587 : i32
      %add3A_589 = arith.constant 8192 : i32
      %add3A_590 = arith.addi %add3A_589, %mul3A_588 : i32
      %get3A_591 = arith.index_cast %add3A_590 : i32 to index
      %get3A_592 = tpu.vector_load %arg5[%get3A_591] {strides = array<i32>} : memref<16384xf32, #tpu.memory_space<vmem>>, vector<16xf32>,
      %max3A = arith.maximumf %scan3A_563, %get3A_586 : vector<16xf32>
      %min3A = arith.minimumf %scan3A_563, %get3A_586 : vector<16xf32>
      %max3A_593 = arith.maximumf %scan3A_564, %min3A : vector<16xf32>
      %min3A_594 = arith.minimumf %scan3A_564, %min3A : vector<16xf32>
      %max3A_595 = arith.maximumf %scan3A_565, %min3A_594 : vector<16xf32>
      %min3A_596 = arith.minimumf %scan3A_565, %min3A_594 : vector<16xf32>
      %max3A_597 = arith.maximumf %scan3A_566, %min3A_596 : vector<16xf32>
      %min3A_598 = arith.minimumf %scan3A_566, %min3A_596 : vector<16xf32>
      %max3A_599 = arith.maximumf %scan3A_567, %min3A_598 : vector<16xf32>
      %min3A_600 = arith.minimumf %scan3A_568, %get3A_586 : vector<16xf32>
      %max3A_601 = arith.maximumf %scan3A_568, %get3A_586 : vector<16xf32>
      %min3A_602 = arith.minimumf %scan3A_569, %max3A_601 : vector<16xf32>
      %max3A_603 = arith.maximumf %scan3A_569, %max3A_601 : vector<16xf32>
      %min3A_604 = arith.minimumf %scan3A_570, %max3A_603 : vector<16xf32>
      %max3A_605 = arith.maximumf %scan3A_570, %max3A_603 : vector<16xf32>
      %min3A_606 = arith.minimumf %scan3A_571, %max3A_605 : vector<16xf32>
      %max3A_607 = arith.maximumf %scan3A_571, %max3A_605 : vector<16xf32>
      %min3A_608 = arith.minimumf %scan3A_572, %max3A_607 : vector<16xf32>
      %max3A_609 = arith.maximumf %scan3A_573, %get3A_592 : vector<16xf32>
      %min3A_610 = arith.minimumf %scan3A_573, %get3A_592 : vector<16xf32>
      %max3A_611 = arith.maximumf %scan3A_574, %min3A_610 : vector<16xf32>
      %min3A_612 = arith.minimumf %scan3A_574, %min3A_610 : vector<16xf32>
      %max3A_613 = arith.maximumf %scan3A_575, %min3A_612 : vector<16xf32>
      %min3A_614 = arith.minimumf %scan3A_575, %min3A_612 : vector<16xf32>
      %max3A_615 = arith.maximumf %scan3A_576, %min3A_614 : vector<16xf32>
      %min3A_616 = arith.minimumf %scan3A_576, %min3A_614 : vector<16xf32>
      %max3A_617 = arith.maximumf %scan3A_577, %min3A_616 : vector<16xf32>
      %min3A_618 = arith.minimumf %scan3A_578, %get3A_592 : vector<16xf32>
      %max3A_619 = arith.maximumf %scan3A_578, %get3A_592 : vector<16xf32>
      %min3A_620 = arith.minimumf %scan3A_579, %max3A_619 : vector<16xf32>
      %max3A_621 = arith.maximumf %scan3A_579, %max3A_619 : vector<16xf32>
      %min3A_622 = arith.minimumf %scan3A_580, %max3A_621 : vector<16xf32>
      %max3A_623 = arith.maximumf %scan3A_580, %max3A_621 : vector<16xf32>
      %min3A_624 = arith.minimumf %scan3A_581, %max3A_623 : vector<16xf32>
      %max3A_625 = arith.maximumf %scan3A_581, %max3A_623 : vector<16xf32>
      %min3A_626 = arith.minimumf %scan3A_582, %max3A_625 : vector<16xf32>
      %scan3A_627 = arith.constant 1 : i32
      %scan3A_628 = arith.addi %scan3A_562, %scan3A_627 : i32
      %mul3A_629 = arith.constant 16 : i32
      %mul3A_630 = arith.muli %scan3A_628, %mul3A_629 : i32
      %get3A_631 = arith.index_cast %mul3A_630 : i32 to index
      %get3A_632 = tpu.vector_load %arg5[%get3A_631] {strides = array<i32>} : memref<16384xf32, #tpu.memory_space<vmem>>, vector<16xf32>,
      %mul3A_633 = arith.constant 16 : i32
      %mul3A_634 = arith.muli %scan3A_628, %mul3A_633 : i32
      %add3A_635 = arith.constant 8192 : i32
      %add3A_636 = arith.addi %add3A_635, %mul3A_634 : i32
      %get3A_637 = arith.index_cast %add3A_636 : i32 to index
      %get3A_638 = tpu.vector_load %arg5[%get3A_637] {strides = array<i32>} : memref<16384xf32, #tpu.memory_space<vmem>>, vector<16xf32>,
      %max3A_639 = arith.maximumf %max3A, %get3A_632 : vector<16xf32>
      %min3A_640 = arith.minimumf %max3A, %get3A_632 : vector<16xf32>
      %max3A_641 = arith.maximumf %max3A_593, %min3A_640 : vector<16xf32>
      %min3A_642 = arith.minimumf %max3A_593, %min3A_640 : vector<16xf32>
      %max3A_643 = arith.maximumf %max3A_595, %min3A_642 : vector<16xf32>
      %min3A_644 = arith.minimumf %max3A_595, %min3A_642 : vector<16xf32>
      %max3A_645 = arith.maximumf %max3A_597, %min3A_644 : vector<16xf32>
      %min3A_646 = arith.minimumf %max3A_597, %min3A_644 : vector<16xf32>
      %max3A_647 = arith.maximumf %max3A_599, %min3A_646 : vector<16xf32>
      %min3A_648 = arith.minimumf %min3A_600, %get3A_632 : vector<16xf32>
      %max3A_649 = arith.maximumf %min3A_600, %get3A_632 : vector<16xf32>
      %min3A_650 = arith.minimumf %min3A_602, %max3A_649 : vector<16xf32>
      %max3A_651 = arith.maximumf %min3A_602, %max3A_649 : vector<16xf32>
      %min3A_652 = arith.minimumf %min3A_604, %max3A_651 : vector<16xf32>
      %max3A_653 = arith.maximumf %min3A_604, %max3A_651 : vector<16xf32>
      %min3A_654 = arith.minimumf %min3A_606, %max3A_653 : vector<16xf32>
      %max3A_655 = arith.maximumf %min3A_606, %max3A_653 : vector<16xf32>
      %min3A_656 = arith.minimumf %min3A_608, %max3A_655 : vector<16xf32>
      %max3A_657 = arith.maximumf %max3A_609, %get3A_638 : vector<16xf32>
      %min3A_658 = arith.minimumf %max3A_609, %get3A_638 : vector<16xf32>
      %max3A_659 = arith.maximumf %max3A_611, %min3A_658 : vector<16xf32>
      %min3A_660 = arith.minimumf %max3A_611, %min3A_658 : vector<16xf32>
      %max3A_661 = arith.maximumf %max3A_613, %min3A_660 : vector<16xf32>
      %min3A_662 = arith.minimumf %max3A_613, %min3A_660 : vector<16xf32>
      %max3A_663 = arith.maximumf %max3A_615, %min3A_662 : vector<16xf32>
      %min3A_664 = arith.minimumf %max3A_615, %min3A_662 : vector<16xf32>
      %max3A_665 = arith.maximumf %max3A_617, %min3A_664 : vector<16xf32>
      %min3A_666 = arith.minimumf %min3A_618, %get3A_638 : vector<16xf32>
      %max3A_667 = arith.maximumf %min3A_618, %get3A_638 : vector<16xf32>
      %min3A_668 = arith.minimumf %min3A_620, %max3A_667 : vector<16xf32>
      %max3A_669 = arith.maximumf %min3A_620, %max3A_667 : vector<16xf32>
      %min3A_670 = arith.minimumf %min3A_622, %max3A_669 : vector<16xf32>
      %max3A_671 = arith.maximumf %min3A_622, %max3A_669 : vector<16xf32>
      %min3A_672 = arith.minimumf %min3A_624, %max3A_671 : vector<16xf32>
      %max3A_673 = arith.maximumf %min3A_624, %max3A_671 : vector<16xf32>
      %min3A_674 = arith.minimumf %min3A_626, %max3A_673 : vector<16xf32>
      %scan3A_675 = arith.constant 2 : i32
      %scan3A_676 = arith.addi %scan3A_562, %scan3A_675 : i32
      %mul3A_677 = arith.constant 16 : i32
      %mul3A_678 = arith.muli %scan3A_676, %mul3A_677 : i32
      %get3A_679 = arith.index_cast %mul3A_678 : i32 to index
      %get3A_680 = tpu.vector_load %arg5[%get3A_679] {strides = array<i32>} : memref<16384xf32, #tpu.memory_space<vmem>>, vector<16xf32>,
      %mul3A_681 = arith.constant 16 : i32
      %mul3A_682 = arith.muli %scan3A_676, %mul3A_681 : i32
      %add3A_683 = arith.constant 8192 : i32
      %add3A_684 = arith.addi %add3A_683, %mul3A_682 : i32
      %get3A_685 = arith.index_cast %add3A_684 : i32 to index
      %get3A_686 = tpu.vector_load %arg5[%get3A_685] {strides = array<i32>} : memref<16384xf32, #tpu.memory_space<vmem>>, vector<16xf32>,
      %max3A_687 = arith.maximumf %max3A_639, %get3A_680 : vector<16xf32>
      %min3A_688 = arith.minimumf %max3A_639, %get3A_680 : vector<16xf32>
      %max3A_689 = arith.maximumf %max3A_641, %min3A_688 : vector<16xf32>
      %min3A_690 = arith.minimumf %max3A_641, %min3A_688 : vector<16xf32>
      %max3A_691 = arith.maximumf %max3A_643, %min3A_690 : vector<16xf32>
      %min3A_692 = arith.minimumf %max3A_643, %min3A_690 : vector<16xf32>
      %max3A_693 = arith.maximumf %max3A_645, %min3A_692 : vector<16xf32>
      %min3A_694 = arith.minimumf %max3A_645, %min3A_692 : vector<16xf32>
      %max3A_695 = arith.maximumf %max3A_647, %min3A_694 : vector<16xf32>
      %min3A_696 = arith.minimumf %min3A_648, %get3A_680 : vector<16xf32>
      %max3A_697 = arith.maximumf %min3A_648, %get3A_680 : vector<16xf32>
      %min3A_698 = arith.minimumf %min3A_650, %max3A_697 : vector<16xf32>
      %max3A_699 = arith.maximumf %min3A_650, %max3A_697 : vector<16xf32>
      %min3A_700 = arith.minimumf %min3A_652, %max3A_699 : vector<16xf32>
      %max3A_701 = arith.maximumf %min3A_652, %max3A_699 : vector<16xf32>
      %min3A_702 = arith.minimumf %min3A_654, %max3A_701 : vector<16xf32>
      %max3A_703 = arith.maximumf %min3A_654, %max3A_701 : vector<16xf32>
      %min3A_704 = arith.minimumf %min3A_656, %max3A_703 : vector<16xf32>
      %max3A_705 = arith.maximumf %max3A_657, %get3A_686 : vector<16xf32>
      %min3A_706 = arith.minimumf %max3A_657, %get3A_686 : vector<16xf32>
      %max3A_707 = arith.maximumf %max3A_659, %min3A_706 : vector<16xf32>
      %min3A_708 = arith.minimumf %max3A_659, %min3A_706 : vector<16xf32>
      %max3A_709 = arith.maximumf %max3A_661, %min3A_708 : vector<16xf32>
      %min3A_710 = arith.minimumf %max3A_661, %min3A_708 : vector<16xf32>
      %max3A_711 = arith.maximumf %max3A_663, %min3A_710 : vector<16xf32>
      %min3A_712 = arith.minimumf %max3A_663, %min3A_710 : vector<16xf32>
      %max3A_713 = arith.maximumf %max3A_665, %min3A_712 : vector<16xf32>
      %min3A_714 = arith.minimumf %min3A_666, %get3A_686 : vector<16xf32>
      %max3A_715 = arith.maximumf %min3A_666, %get3A_686 : vector<16xf32>
      %min3A_716 = arith.minimumf %min3A_668, %max3A_715 : vector<16xf32>
      %max3A_717 = arith.maximumf %min3A_668, %max3A_715 : vector<16xf32>
      %min3A_718 = arith.minimumf %min3A_670, %max3A_717 : vector<16xf32>
      %max3A_719 = arith.maximumf %min3A_670, %max3A_717 : vector<16xf32>
      %min3A_720 = arith.minimumf %min3A_672, %max3A_719 : vector<16xf32>
      %max3A_721 = arith.maximumf %min3A_672, %max3A_719 : vector<16xf32>
      %min3A_722 = arith.minimumf %min3A_674, %max3A_721 : vector<16xf32>
      %scan3A_723 = arith.constant 3 : i32
      %scan3A_724 = arith.addi %scan3A_562, %scan3A_723 : i32
      %mul3A_725 = arith.constant 16 : i32
      %mul3A_726 = arith.muli %scan3A_724, %mul3A_725 : i32
      %get3A_727 = arith.index_cast %mul3A_726 : i32 to index
      %get3A_728 = tpu.vector_load %arg5[%get3A_727] {strides = array<i32>} : memref<16384xf32, #tpu.memory_space<vmem>>, vector<16xf32>,
      %mul3A_729 = arith.constant 16 : i32
      %mul3A_730 = arith.muli %scan3A_724, %mul3A_729 : i32
      %add3A_731 = arith.constant 8192 : i32
      %add3A_732 = arith.addi %add3A_731, %mul3A_730 : i32
      %get3A_733 = arith.index_cast %add3A_732 : i32 to index
      %get3A_734 = tpu.vector_load %arg5[%get3A_733] {strides = array<i32>} : memref<16384xf32, #tpu.memory_space<vmem>>, vector<16xf32>,
      %max3A_735 = arith.maximumf %max3A_687, %get3A_728 : vector<16xf32>
      %min3A_736 = arith.minimumf %max3A_687, %get3A_728 : vector<16xf32>
      %max3A_737 = arith.maximumf %max3A_689, %min3A_736 : vector<16xf32>
      %min3A_738 = arith.minimumf %max3A_689, %min3A_736 : vector<16xf32>
      %max3A_739 = arith.maximumf %max3A_691, %min3A_738 : vector<16xf32>
      %min3A_740 = arith.minimumf %max3A_691, %min3A_738 : vector<16xf32>
      %max3A_741 = arith.maximumf %max3A_693, %min3A_740 : vector<16xf32>
      %min3A_742 = arith.minimumf %max3A_693, %min3A_740 : vector<16xf32>
      %max3A_743 = arith.maximumf %max3A_695, %min3A_742 : vector<16xf32>
      %min3A_744 = arith.minimumf %min3A_696, %get3A_728 : vector<16xf32>
      %max3A_745 = arith.maximumf %min3A_696, %get3A_728 : vector<16xf32>
      %min3A_746 = arith.minimumf %min3A_698, %max3A_745 : vector<16xf32>
      %max3A_747 = arith.maximumf %min3A_698, %max3A_745 : vector<16xf32>
      %min3A_748 = arith.minimumf %min3A_700, %max3A_747 : vector<16xf32>
      %max3A_749 = arith.maximumf %min3A_700, %max3A_747 : vector<16xf32>
      %min3A_750 = arith.minimumf %min3A_702, %max3A_749 : vector<16xf32>
      %max3A_751 = arith.maximumf %min3A_702, %max3A_749 : vector<16xf32>
      %min3A_752 = arith.minimumf %min3A_704, %max3A_751 : vector<16xf32>
      %max3A_753 = arith.maximumf %max3A_705, %get3A_734 : vector<16xf32>
      %min3A_754 = arith.minimumf %max3A_705, %get3A_734 : vector<16xf32>
      %max3A_755 = arith.maximumf %max3A_707, %min3A_754 : vector<16xf32>
      %min3A_756 = arith.minimumf %max3A_707, %min3A_754 : vector<16xf32>
      %max3A_757 = arith.maximumf %max3A_709, %min3A_756 : vector<16xf32>
      %min3A_758 = arith.minimumf %max3A_709, %min3A_756 : vector<16xf32>
      %max3A_759 = arith.maximumf %max3A_711, %min3A_758 : vector<16xf32>
      %min3A_760 = arith.minimumf %max3A_711, %min3A_758 : vector<16xf32>
      %max3A_761 = arith.maximumf %max3A_713, %min3A_760 : vector<16xf32>
      %min3A_762 = arith.minimumf %min3A_714, %get3A_734 : vector<16xf32>
      %max3A_763 = arith.maximumf %min3A_714, %get3A_734 : vector<16xf32>
      %min3A_764 = arith.minimumf %min3A_716, %max3A_763 : vector<16xf32>
      %max3A_765 = arith.maximumf %min3A_716, %max3A_763 : vector<16xf32>
      %min3A_766 = arith.minimumf %min3A_718, %max3A_765 : vector<16xf32>
      %max3A_767 = arith.maximumf %min3A_718, %max3A_765 : vector<16xf32>
      %min3A_768 = arith.minimumf %min3A_720, %max3A_767 : vector<16xf32>
      %max3A_769 = arith.maximumf %min3A_720, %max3A_767 : vector<16xf32>
      %min3A_770 = arith.minimumf %min3A_722, %max3A_769 : vector<16xf32>
      scf.yield %max3A_735, %max3A_737, %max3A_739, %max3A_741, %max3A_743, %min3A_744, %min3A_746, %min3A_748, %min3A_750, %min3A_752, %max3A_753, %max3A_755, %max3A_757, %max3A_759, %max3A_761, %min3A_762, %min3A_764, %min3A_766, %min3A_768, %min3A_770 : vector<16xf32>, vector<16xf32>, vector<16xf32>, vector<16xf32>, vector<16xf32>, vector<16xf32>, vector<16xf32>, vector<16xf32>, vector<16xf32>, vector<16xf32>, vector<16xf32>, vector<16xf32>, vector<16xf32>, vector<16xf32>, vector<16xf32>, vector<16xf32>, vector<16xf32>, vector<16xf32>, vector<16xf32>, vector<16xf32>
    }
    %scan3A_72 = arith.constant 256 : i32
    %eq3A = arith.constant 10 : i32
    %eq3A_73 = vector.broadcast %eq3A : i32 to vector<16xi32>
    %eq3A_74 = arith.cmpi eq, %iota3A, %eq3A_73 : vector<16xi32>
    %jit3A = arith.constant 1.000000e+00 : f32
    %broadcast_in_dim3A_75 = vector.broadcast %jit3A : f32 to vector<16xf32>
    %select_n3A = arith.select %eq3A_74, %broadcast_in_dim3A_75, %broadcast_in_dim3A_38 : vector<16xi1>, vector<16xf32>
    %reduce_max3A = arith.constant true
    %reduce_max3A_76 = vector.broadcast %reduce_max3A : i1 to vector<16xi1>
    %reduce_max3A_77 = tpu.scan <max>, %scan3A_71#0 masked %reduce_max3A_76 : vector<16xf32>, vector<16xi1> -> vector<16xf32>
    %reduce_max3A_78 = vector.extract %reduce_max3A_77[15] : f32 from vector<16xf32>
    %eq3A_79 = arith.constant 0 : i32
    %eq3A_80 = vector.broadcast %eq3A_79 : i32 to vector<16xi32>
    %eq3A_81 = arith.cmpi eq, %iota3A, %eq3A_80 : vector<16xi32>
    %broadcast_in_dim3A_82 = vector.broadcast %reduce_max3A_78 : f32 to vector<16xf32>
    %select_n3A_83 = arith.select %eq3A_81, %broadcast_in_dim3A_82, %select_n3A : vector<16xi1>, vector<16xf32>
    %eq3A_84 = vector.broadcast %reduce_max3A_78 : f32 to vector<16xf32>
    %eq3A_85 = arith.cmpf oeq, %scan3A_71#0, %eq3A_84 : vector<16xf32>
    %all_reduce_ffs3A = tpu.all_reduce %eq3A_85 {dim = 0 : i64, kind = #tpu.reduction_kind<find_first_set>} : vector<16xi1> -> vector<16xi32>
    %eq3A_86 = arith.cmpi eq, %iota3A, %all_reduce_ffs3A : vector<16xi32>
    %select_n3A_87 = arith.select %eq3A_86, %scan3A_71#1, %scan3A_71#0 : vector<16xi1>, vector<16xf32>
    %select_n3A_88 = arith.select %eq3A_86, %scan3A_71#2, %scan3A_71#1 : vector<16xi1>, vector<16xf32>
    %select_n3A_89 = arith.select %eq3A_86, %scan3A_71#3, %scan3A_71#2 : vector<16xi1>, vector<16xf32>
    %select_n3A_90 = arith.select %eq3A_86, %scan3A_71#4, %scan3A_71#3 : vector<16xi1>, vector<16xf32>
    %select_n3A_91 = arith.select %eq3A_86, %broadcast_in_dim3A_34, %scan3A_71#4 : vector<16xi1>, vector<16xf32>
    %reduce_max3A_92 = arith.constant true
    %reduce_max3A_93 = vector.broadcast %reduce_max3A_92 : i1 to vector<16xi1>
    %reduce_max3A_94 = tpu.scan <max>, %select_n3A_87 masked %reduce_max3A_93 : vector<16xf32>, vector<16xi1> -> vector<16xf32>
    %reduce_max3A_95 = vector.extract %reduce_max3A_94[15] : f32 from vector<16xf32>
    %eq3A_96 = arith.constant 1 : i32
    %eq3A_97 = vector.broadcast %eq3A_96 : i32 to vector<16xi32>
    %eq3A_98 = arith.cmpi eq, %iota3A, %eq3A_97 : vector<16xi32>
    %broadcast_in_dim3A_99 = vector.broadcast %reduce_max3A_95 : f32 to vector<16xf32>
    %select_n3A_100 = arith.select %eq3A_98, %broadcast_in_dim3A_99, %select_n3A_83 : vector<16xi1>, vector<16xf32>
    %eq3A_101 = vector.broadcast %reduce_max3A_95 : f32 to vector<16xf32>
    %eq3A_102 = arith.cmpf oeq, %select_n3A_87, %eq3A_101 : vector<16xf32>
    %all_reduce_ffs3A_103 = tpu.all_reduce %eq3A_102 {dim = 0 : i64, kind = #tpu.reduction_kind<find_first_set>} : vector<16xi1> -> vector<16xi32>
    %eq3A_104 = arith.cmpi eq, %iota3A, %all_reduce_ffs3A_103 : vector<16xi32>
    %select_n3A_105 = arith.select %eq3A_104, %select_n3A_88, %select_n3A_87 : vector<16xi1>, vector<16xf32>
    %select_n3A_106 = arith.select %eq3A_104, %select_n3A_89, %select_n3A_88 : vector<16xi1>, vector<16xf32>
    %select_n3A_107 = arith.select %eq3A_104, %select_n3A_90, %select_n3A_89 : vector<16xi1>, vector<16xf32>
    %select_n3A_108 = arith.select %eq3A_104, %select_n3A_91, %select_n3A_90 : vector<16xi1>, vector<16xf32>
    %select_n3A_109 = arith.select %eq3A_104, %broadcast_in_dim3A_34, %select_n3A_91 : vector<16xi1>, vector<16xf32>
    %reduce_max3A_110 = arith.constant true
    %reduce_max3A_111 = vector.broadcast %reduce_max3A_110 : i1 to vector<16xi1>
    %reduce_max3A_112 = tpu.scan <max>, %select_n3A_105 masked %reduce_max3A_111 : vector<16xf32>, vector<16xi1> -> vector<16xf32>
    %reduce_max3A_113 = vector.extract %reduce_max3A_112[15] : f32 from vector<16xf32>
    %eq3A_114 = arith.constant 2 : i32
    %eq3A_115 = vector.broadcast %eq3A_114 : i32 to vector<16xi32>
    %eq3A_116 = arith.cmpi eq, %iota3A, %eq3A_115 : vector<16xi32>
    %broadcast_in_dim3A_117 = vector.broadcast %reduce_max3A_113 : f32 to vector<16xf32>
    %select_n3A_118 = arith.select %eq3A_116, %broadcast_in_dim3A_117, %select_n3A_100 : vector<16xi1>, vector<16xf32>
    %eq3A_119 = vector.broadcast %reduce_max3A_113 : f32 to vector<16xf32>
    %eq3A_120 = arith.cmpf oeq, %select_n3A_105, %eq3A_119 : vector<16xf32>
    %all_reduce_ffs3A_121 = tpu.all_reduce %eq3A_120 {dim = 0 : i64, kind = #tpu.reduction_kind<find_first_set>} : vector<16xi1> -> vector<16xi32>
    %eq3A_122 = arith.cmpi eq, %iota3A, %all_reduce_ffs3A_121 : vector<16xi32>
    %select_n3A_123 = arith.select %eq3A_122, %select_n3A_106, %select_n3A_105 : vector<16xi1>, vector<16xf32>
    %select_n3A_124 = arith.select %eq3A_122, %select_n3A_107, %select_n3A_106 : vector<16xi1>, vector<16xf32>
    %select_n3A_125 = arith.select %eq3A_122, %select_n3A_108, %select_n3A_107 : vector<16xi1>, vector<16xf32>
    %select_n3A_126 = arith.select %eq3A_122, %select_n3A_109, %select_n3A_108 : vector<16xi1>, vector<16xf32>
    %select_n3A_127 = arith.select %eq3A_122, %broadcast_in_dim3A_34, %select_n3A_109 : vector<16xi1>, vector<16xf32>
    %reduce_max3A_128 = arith.constant true
    %reduce_max3A_129 = vector.broadcast %reduce_max3A_128 : i1 to vector<16xi1>
    %reduce_max3A_130 = tpu.scan <max>, %select_n3A_123 masked %reduce_max3A_129 : vector<16xf32>, vector<16xi1> -> vector<16xf32>
    %reduce_max3A_131 = vector.extract %reduce_max3A_130[15] : f32 from vector<16xf32>
    %eq3A_132 = arith.constant 3 : i32
    %eq3A_133 = vector.broadcast %eq3A_132 : i32 to vector<16xi32>
    %eq3A_134 = arith.cmpi eq, %iota3A, %eq3A_133 : vector<16xi32>
    %broadcast_in_dim3A_135 = vector.broadcast %reduce_max3A_131 : f32 to vector<16xf32>
    %select_n3A_136 = arith.select %eq3A_134, %broadcast_in_dim3A_135, %select_n3A_118 : vector<16xi1>, vector<16xf32>
    %eq3A_137 = vector.broadcast %reduce_max3A_131 : f32 to vector<16xf32>
    %eq3A_138 = arith.cmpf oeq, %select_n3A_123, %eq3A_137 : vector<16xf32>
    %all_reduce_ffs3A_139 = tpu.all_reduce %eq3A_138 {dim = 0 : i64, kind = #tpu.reduction_kind<find_first_set>} : vector<16xi1> -> vector<16xi32>
    %eq3A_140 = arith.cmpi eq, %iota3A, %all_reduce_ffs3A_139 : vector<16xi32>
    %select_n3A_141 = arith.select %eq3A_140, %select_n3A_124, %select_n3A_123 : vector<16xi1>, vector<16xf32>
    %select_n3A_142 = arith.select %eq3A_140, %select_n3A_125, %select_n3A_124 : vector<16xi1>, vector<16xf32>
    %select_n3A_143 = arith.select %eq3A_140, %select_n3A_126, %select_n3A_125 : vector<16xi1>, vector<16xf32>
    %select_n3A_144 = arith.select %eq3A_140, %select_n3A_127, %select_n3A_126 : vector<16xi1>, vector<16xf32>
    %select_n3A_145 = arith.select %eq3A_140, %broadcast_in_dim3A_34, %select_n3A_127 : vector<16xi1>, vector<16xf32>
    %reduce_max3A_146 = arith.constant true
    %reduce_max3A_147 = vector.broadcast %reduce_max3A_146 : i1 to vector<16xi1>
    %reduce_max3A_148 = tpu.scan <max>, %select_n3A_141 masked %reduce_max3A_147 : vector<16xf32>, vector<16xi1> -> vector<16xf32>
    %reduce_max3A_149 = vector.extract %reduce_max3A_148[15] : f32 from vector<16xf32>
    %eq3A_150 = arith.constant 4 : i32
    %eq3A_151 = vector.broadcast %eq3A_150 : i32 to vector<16xi32>
    %eq3A_152 = arith.cmpi eq, %iota3A, %eq3A_151 : vector<16xi32>
    %broadcast_in_dim3A_153 = vector.broadcast %reduce_max3A_149 : f32 to vector<16xf32>
    %select_n3A_154 = arith.select %eq3A_152, %broadcast_in_dim3A_153, %select_n3A_136 : vector<16xi1>, vector<16xf32>
    %eq3A_155 = vector.broadcast %reduce_max3A_149 : f32 to vector<16xf32>
    %eq3A_156 = arith.cmpf oeq, %select_n3A_141, %eq3A_155 : vector<16xf32>
    %all_reduce_ffs3A_157 = tpu.all_reduce %eq3A_156 {dim = 0 : i64, kind = #tpu.reduction_kind<find_first_set>} : vector<16xi1> -> vector<16xi32>
    %eq3A_158 = arith.cmpi eq, %iota3A, %all_reduce_ffs3A_157 : vector<16xi32>
    %select_n3A_159 = arith.select %eq3A_158, %select_n3A_142, %select_n3A_141 : vector<16xi1>, vector<16xf32>
    %select_n3A_160 = arith.select %eq3A_158, %select_n3A_143, %select_n3A_142 : vector<16xi1>, vector<16xf32>
    %select_n3A_161 = arith.select %eq3A_158, %select_n3A_144, %select_n3A_143 : vector<16xi1>, vector<16xf32>
    %select_n3A_162 = arith.select %eq3A_158, %select_n3A_145, %select_n3A_144 : vector<16xi1>, vector<16xf32>
    %select_n3A_163 = arith.select %eq3A_158, %broadcast_in_dim3A_34, %select_n3A_145 : vector<16xi1>, vector<16xf32>
    %reduce_min3A = arith.constant true
    %reduce_min3A_164 = vector.broadcast %reduce_min3A : i1 to vector<16xi1>
    %reduce_min3A_165 = tpu.scan <min>, %scan3A_71#5 masked %reduce_min3A_164 : vector<16xf32>, vector<16xi1> -> vector<16xf32>
    %reduce_min3A_166 = vector.extract %reduce_min3A_165[15] : f32 from vector<16xf32>
    %eq3A_167 = arith.constant 9 : i32
    %eq3A_168 = vector.broadcast %eq3A_167 : i32 to vector<16xi32>
    %eq3A_169 = arith.cmpi eq, %iota3A, %eq3A_168 : vector<16xi32>
    %broadcast_in_dim3A_170 = vector.broadcast %reduce_min3A_166 : f32 to vector<16xf32>
    %select_n3A_171 = arith.select %eq3A_169, %broadcast_in_dim3A_170, %select_n3A_154 : vector<16xi1>, vector<16xf32>
    %eq3A_172 = vector.broadcast %reduce_min3A_166 : f32 to vector<16xf32>
    %eq3A_173 = arith.cmpf oeq, %scan3A_71#5, %eq3A_172 : vector<16xf32>
    %all_reduce_ffs3A_174 = tpu.all_reduce %eq3A_173 {dim = 0 : i64, kind = #tpu.reduction_kind<find_first_set>} : vector<16xi1> -> vector<16xi32>
    %eq3A_175 = arith.cmpi eq, %iota3A, %all_reduce_ffs3A_174 : vector<16xi32>
    %select_n3A_176 = arith.select %eq3A_175, %scan3A_71#6, %scan3A_71#5 : vector<16xi1>, vector<16xf32>
    %select_n3A_177 = arith.select %eq3A_175, %scan3A_71#7, %scan3A_71#6 : vector<16xi1>, vector<16xf32>
    %select_n3A_178 = arith.select %eq3A_175, %scan3A_71#8, %scan3A_71#7 : vector<16xi1>, vector<16xf32>
    %select_n3A_179 = arith.select %eq3A_175, %scan3A_71#9, %scan3A_71#8 : vector<16xi1>, vector<16xf32>
    %select_n3A_180 = arith.select %eq3A_175, %broadcast_in_dim3A_36, %scan3A_71#9 : vector<16xi1>, vector<16xf32>
    %reduce_min3A_181 = arith.constant true
    %reduce_min3A_182 = vector.broadcast %reduce_min3A_181 : i1 to vector<16xi1>
    %reduce_min3A_183 = tpu.scan <min>, %select_n3A_176 masked %reduce_min3A_182 : vector<16xf32>, vector<16xi1> -> vector<16xf32>
    %reduce_min3A_184 = vector.extract %reduce_min3A_183[15] : f32 from vector<16xf32>
    %eq3A_185 = arith.constant 8 : i32
    %eq3A_186 = vector.broadcast %eq3A_185 : i32 to vector<16xi32>
    %eq3A_187 = arith.cmpi eq, %iota3A, %eq3A_186 : vector<16xi32>
    %broadcast_in_dim3A_188 = vector.broadcast %reduce_min3A_184 : f32 to vector<16xf32>
    %select_n3A_189 = arith.select %eq3A_187, %broadcast_in_dim3A_188, %select_n3A_171 : vector<16xi1>, vector<16xf32>
    %eq3A_190 = vector.broadcast %reduce_min3A_184 : f32 to vector<16xf32>
    %eq3A_191 = arith.cmpf oeq, %select_n3A_176, %eq3A_190 : vector<16xf32>
    %all_reduce_ffs3A_192 = tpu.all_reduce %eq3A_191 {dim = 0 : i64, kind = #tpu.reduction_kind<find_first_set>} : vector<16xi1> -> vector<16xi32>
    %eq3A_193 = arith.cmpi eq, %iota3A, %all_reduce_ffs3A_192 : vector<16xi32>
    %select_n3A_194 = arith.select %eq3A_193, %select_n3A_177, %select_n3A_176 : vector<16xi1>, vector<16xf32>
    %select_n3A_195 = arith.select %eq3A_193, %select_n3A_178, %select_n3A_177 : vector<16xi1>, vector<16xf32>
    %select_n3A_196 = arith.select %eq3A_193, %select_n3A_179, %select_n3A_178 : vector<16xi1>, vector<16xf32>
    %select_n3A_197 = arith.select %eq3A_193, %select_n3A_180, %select_n3A_179 : vector<16xi1>, vector<16xf32>
    %select_n3A_198 = arith.select %eq3A_193, %broadcast_in_dim3A_36, %select_n3A_180 : vector<16xi1>, vector<16xf32>
    %reduce_min3A_199 = arith.constant true
    %reduce_min3A_200 = vector.broadcast %reduce_min3A_199 : i1 to vector<16xi1>
    %reduce_min3A_201 = tpu.scan <min>, %select_n3A_194 masked %reduce_min3A_200 : vector<16xf32>, vector<16xi1> -> vector<16xf32>
    %reduce_min3A_202 = vector.extract %reduce_min3A_201[15] : f32 from vector<16xf32>
    %eq3A_203 = arith.constant 7 : i32
    %eq3A_204 = vector.broadcast %eq3A_203 : i32 to vector<16xi32>
    %eq3A_205 = arith.cmpi eq, %iota3A, %eq3A_204 : vector<16xi32>
    %broadcast_in_dim3A_206 = vector.broadcast %reduce_min3A_202 : f32 to vector<16xf32>
    %select_n3A_207 = arith.select %eq3A_205, %broadcast_in_dim3A_206, %select_n3A_189 : vector<16xi1>, vector<16xf32>
    %eq3A_208 = vector.broadcast %reduce_min3A_202 : f32 to vector<16xf32>
    %eq3A_209 = arith.cmpf oeq, %select_n3A_194, %eq3A_208 : vector<16xf32>
    %all_reduce_ffs3A_210 = tpu.all_reduce %eq3A_209 {dim = 0 : i64, kind = #tpu.reduction_kind<find_first_set>} : vector<16xi1> -> vector<16xi32>
    %eq3A_211 = arith.cmpi eq, %iota3A, %all_reduce_ffs3A_210 : vector<16xi32>
    %select_n3A_212 = arith.select %eq3A_211, %select_n3A_195, %select_n3A_194 : vector<16xi1>, vector<16xf32>
    %select_n3A_213 = arith.select %eq3A_211, %select_n3A_196, %select_n3A_195 : vector<16xi1>, vector<16xf32>
    %select_n3A_214 = arith.select %eq3A_211, %select_n3A_197, %select_n3A_196 : vector<16xi1>, vector<16xf32>
    %select_n3A_215 = arith.select %eq3A_211, %select_n3A_198, %select_n3A_197 : vector<16xi1>, vector<16xf32>
    %select_n3A_216 = arith.select %eq3A_211, %broadcast_in_dim3A_36, %select_n3A_198 : vector<16xi1>, vector<16xf32>
    %reduce_min3A_217 = arith.constant true
    %reduce_min3A_218 = vector.broadcast %reduce_min3A_217 : i1 to vector<16xi1>
    %reduce_min3A_219 = tpu.scan <min>, %select_n3A_212 masked %reduce_min3A_218 : vector<16xf32>, vector<16xi1> -> vector<16xf32>
    %reduce_min3A_220 = vector.extract %reduce_min3A_219[15] : f32 from vector<16xf32>
    %eq3A_221 = arith.constant 6 : i32
    %eq3A_222 = vector.broadcast %eq3A_221 : i32 to vector<16xi32>
    %eq3A_223 = arith.cmpi eq, %iota3A, %eq3A_222 : vector<16xi32>
    %broadcast_in_dim3A_224 = vector.broadcast %reduce_min3A_220 : f32 to vector<16xf32>
    %select_n3A_225 = arith.select %eq3A_223, %broadcast_in_dim3A_224, %select_n3A_207 : vector<16xi1>, vector<16xf32>
    %eq3A_226 = vector.broadcast %reduce_min3A_220 : f32 to vector<16xf32>
    %eq3A_227 = arith.cmpf oeq, %select_n3A_212, %eq3A_226 : vector<16xf32>
    %all_reduce_ffs3A_228 = tpu.all_reduce %eq3A_227 {dim = 0 : i64, kind = #tpu.reduction_kind<find_first_set>} : vector<16xi1> -> vector<16xi32>
    %eq3A_229 = arith.cmpi eq, %iota3A, %all_reduce_ffs3A_228 : vector<16xi32>
    %select_n3A_230 = arith.select %eq3A_229, %select_n3A_213, %select_n3A_212 : vector<16xi1>, vector<16xf32>
    %select_n3A_231 = arith.select %eq3A_229, %select_n3A_214, %select_n3A_213 : vector<16xi1>, vector<16xf32>
    %select_n3A_232 = arith.select %eq3A_229, %select_n3A_215, %select_n3A_214 : vector<16xi1>, vector<16xf32>
    %select_n3A_233 = arith.select %eq3A_229, %select_n3A_216, %select_n3A_215 : vector<16xi1>, vector<16xf32>
    %select_n3A_234 = arith.select %eq3A_229, %broadcast_in_dim3A_36, %select_n3A_216 : vector<16xi1>, vector<16xf32>
    %reduce_min3A_235 = arith.constant true
    %reduce_min3A_236 = vector.broadcast %reduce_min3A_235 : i1 to vector<16xi1>
    %reduce_min3A_237 = tpu.scan <min>, %select_n3A_230 masked %reduce_min3A_236 : vector<16xf32>, vector<16xi1> -> vector<16xf32>
    %reduce_min3A_238 = vector.extract %reduce_min3A_237[15] : f32 from vector<16xf32>
    %eq3A_239 = arith.constant 5 : i32
    %eq3A_240 = vector.broadcast %eq3A_239 : i32 to vector<16xi32>
    %eq3A_241 = arith.cmpi eq, %iota3A, %eq3A_240 : vector<16xi32>
    %broadcast_in_dim3A_242 = vector.broadcast %reduce_min3A_238 : f32 to vector<16xf32>
    %select_n3A_243 = arith.select %eq3A_241, %broadcast_in_dim3A_242, %select_n3A_225 : vector<16xi1>, vector<16xf32>
    %eq3A_244 = vector.broadcast %reduce_min3A_238 : f32 to vector<16xf32>
    %eq3A_245 = arith.cmpf oeq, %select_n3A_230, %eq3A_244 : vector<16xf32>
    %all_reduce_ffs3A_246 = tpu.all_reduce %eq3A_245 {dim = 0 : i64, kind = #tpu.reduction_kind<find_first_set>} : vector<16xi1> -> vector<16xi32>
    %eq3A_247 = arith.cmpi eq, %iota3A, %all_reduce_ffs3A_246 : vector<16xi32>
    %select_n3A_248 = arith.select %eq3A_247, %select_n3A_231, %select_n3A_230 : vector<16xi1>, vector<16xf32>
    %select_n3A_249 = arith.select %eq3A_247, %select_n3A_232, %select_n3A_231 : vector<16xi1>, vector<16xf32>
    %select_n3A_250 = arith.select %eq3A_247, %select_n3A_233, %select_n3A_232 : vector<16xi1>, vector<16xf32>
    %select_n3A_251 = arith.select %eq3A_247, %select_n3A_234, %select_n3A_233 : vector<16xi1>, vector<16xf32>
    %select_n3A_252 = arith.select %eq3A_247, %broadcast_in_dim3A_36, %select_n3A_234 : vector<16xi1>, vector<16xf32>
    %get3A = arith.constant 0 : index
    %get3A_253 = tpu.vector_load %arg6[%get3A] {strides = array<i32>} : memref<80xf32, #tpu.memory_space<vmem>>, vector<16xf32>,
    %eq3A_254 = arith.constant 0 : i32
    %eq3A_255 = vector.broadcast %eq3A_254 : i32 to vector<16xi32>
    %eq3A_256 = arith.cmpi eq, %iota3A, %eq3A_255 : vector<16xi32>
    %mul3A_257 = arith.mulf %select_n3A_243, %get3A_253 : vector<16xf32>
    %reduce_sum3A = arith.constant true
    %reduce_sum3A_258 = vector.broadcast %reduce_sum3A : i1 to vector<16xi1>
    %reduce_sum3A_259 = tpu.scan <sum>, %mul3A_257 masked %reduce_sum3A_258 : vector<16xf32>, vector<16xi1> -> vector<16xf32>
    %reduce_sum3A_260 = vector.extract %reduce_sum3A_259[15] : f32 from vector<16xf32>
    %broadcast_in_dim3A_261 = vector.broadcast %reduce_sum3A_260 : f32 to vector<16xf32>
    %select_n3A_262 = arith.select %eq3A_256, %broadcast_in_dim3A_261, %broadcast_in_dim3A_38 : vector<16xi1>, vector<16xf32>
    %get3A_263 = arith.constant 16 : index
    %get3A_264 = tpu.vector_load %arg6[%get3A_263] {strides = array<i32>} : memref<80xf32, #tpu.memory_space<vmem>>, vector<16xf32>,
    %eq3A_265 = arith.constant 1 : i32
    %eq3A_266 = vector.broadcast %eq3A_265 : i32 to vector<16xi32>
    %eq3A_267 = arith.cmpi eq, %iota3A, %eq3A_266 : vector<16xi32>
    %mul3A_268 = arith.mulf %select_n3A_243, %get3A_264 : vector<16xf32>
    %reduce_sum3A_269 = arith.constant true
    %reduce_sum3A_270 = vector.broadcast %reduce_sum3A_269 : i1 to vector<16xi1>
    %reduce_sum3A_271 = tpu.scan <sum>, %mul3A_268 masked %reduce_sum3A_270 : vector<16xf32>, vector<16xi1> -> vector<16xf32>
    %reduce_sum3A_272 = vector.extract %reduce_sum3A_271[15] : f32 from vector<16xf32>
    %broadcast_in_dim3A_273 = vector.broadcast %reduce_sum3A_272 : f32 to vector<16xf32>
    %select_n3A_274 = arith.select %eq3A_267, %broadcast_in_dim3A_273, %select_n3A_262 : vector<16xi1>, vector<16xf32>
    %get3A_275 = arith.constant 32 : index
    %get3A_276 = tpu.vector_load %arg6[%get3A_275] {strides = array<i32>} : memref<80xf32, #tpu.memory_space<vmem>>, vector<16xf32>,
    %eq3A_277 = arith.constant 2 : i32
    %eq3A_278 = vector.broadcast %eq3A_277 : i32 to vector<16xi32>
    %eq3A_279 = arith.cmpi eq, %iota3A, %eq3A_278 : vector<16xi32>
    %mul3A_280 = arith.mulf %select_n3A_243, %get3A_276 : vector<16xf32>
    %reduce_sum3A_281 = arith.constant true
    %reduce_sum3A_282 = vector.broadcast %reduce_sum3A_281 : i1 to vector<16xi1>
    %reduce_sum3A_283 = tpu.scan <sum>, %mul3A_280 masked %reduce_sum3A_282 : vector<16xf32>, vector<16xi1> -> vector<16xf32>
    %reduce_sum3A_284 = vector.extract %reduce_sum3A_283[15] : f32 from vector<16xf32>
    %broadcast_in_dim3A_285 = vector.broadcast %reduce_sum3A_284 : f32 to vector<16xf32>
    %select_n3A_286 = arith.select %eq3A_279, %broadcast_in_dim3A_285, %select_n3A_274 : vector<16xi1>, vector<16xf32>
    %get3A_287 = arith.constant 48 : index
    %get3A_288 = tpu.vector_load %arg6[%get3A_287] {strides = array<i32>} : memref<80xf32, #tpu.memory_space<vmem>>, vector<16xf32>,
    %eq3A_289 = arith.constant 3 : i32
    %eq3A_290 = vector.broadcast %eq3A_289 : i32 to vector<16xi32>
    %eq3A_291 = arith.cmpi eq, %iota3A, %eq3A_290 : vector<16xi32>
    %mul3A_292 = arith.mulf %select_n3A_243, %get3A_288 : vector<16xf32>
    %reduce_sum3A_293 = arith.constant true
    %reduce_sum3A_294 = vector.broadcast %reduce_sum3A_293 : i1 to vector<16xi1>
    %reduce_sum3A_295 = tpu.scan <sum>, %mul3A_292 masked %reduce_sum3A_294 : vector<16xf32>, vector<16xi1> -> vector<16xf32>
    %reduce_sum3A_296 = vector.extract %reduce_sum3A_295[15] : f32 from vector<16xf32>
    %broadcast_in_dim3A_297 = vector.broadcast %reduce_sum3A_296 : f32 to vector<16xf32>
    %select_n3A_298 = arith.select %eq3A_291, %broadcast_in_dim3A_297, %select_n3A_286 : vector<16xi1>, vector<16xf32>
    %get3A_299 = arith.constant 64 : index
    %get3A_300 = tpu.vector_load %arg6[%get3A_299] {strides = array<i32>} : memref<80xf32, #tpu.memory_space<vmem>>, vector<16xf32>,
    %eq3A_301 = arith.constant 4 : i32
    %eq3A_302 = vector.broadcast %eq3A_301 : i32 to vector<16xi32>
    %eq3A_303 = arith.cmpi eq, %iota3A, %eq3A_302 : vector<16xi32>
    %mul3A_304 = arith.mulf %select_n3A_243, %get3A_300 : vector<16xf32>
    %reduce_sum3A_305 = arith.constant true
    %reduce_sum3A_306 = vector.broadcast %reduce_sum3A_305 : i1 to vector<16xi1>
    %reduce_sum3A_307 = tpu.scan <sum>, %mul3A_304 masked %reduce_sum3A_306 : vector<16xf32>, vector<16xi1> -> vector<16xf32>
    %reduce_sum3A_308 = vector.extract %reduce_sum3A_307[15] : f32 from vector<16xf32>
    %broadcast_in_dim3A_309 = vector.broadcast %reduce_sum3A_308 : f32 to vector<16xf32>
    %select_n3A_310 = arith.select %eq3A_303, %broadcast_in_dim3A_309, %select_n3A_298 : vector<16xi1>, vector<16xf32>
    %swap3A = arith.constant 0 : index
    %swap3A_311 = tpu.vector_load %arg7[%swap3A] {strides = array<i32>} : memref<32xf32, #tpu.memory_space<vmem>>, vector<16xf32>,
    tpu.vector_store %arg7[%swap3A], %select_n3A_310 {strides = array<i32>} : memref<32xf32, #tpu.memory_space<vmem>>, vector<16xf32>,
    %eq3A_312 = arith.constant 10 : i32
    %eq3A_313 = vector.broadcast %eq3A_312 : i32 to vector<16xi32>
    %eq3A_314 = arith.cmpi eq, %iota3A, %eq3A_313 : vector<16xi32>
    %jit3A_315 = arith.constant 1.000000e+00 : f32
    %broadcast_in_dim3A_316 = vector.broadcast %jit3A_315 : f32 to vector<16xf32>
    %select_n3A_317 = arith.select %eq3A_314, %broadcast_in_dim3A_316, %broadcast_in_dim3A_38 : vector<16xi1>, vector<16xf32>
    %reduce_max3A_318 = arith.constant true
    %reduce_max3A_319 = vector.broadcast %reduce_max3A_318 : i1 to vector<16xi1>
    %reduce_max3A_320 = tpu.scan <max>, %scan3A_71#10 masked %reduce_max3A_319 : vector<16xf32>, vector<16xi1> -> vector<16xf32>
    %reduce_max3A_321 = vector.extract %reduce_max3A_320[15] : f32 from vector<16xf32>
    %eq3A_322 = arith.constant 0 : i32
    %eq3A_323 = vector.broadcast %eq3A_322 : i32 to vector<16xi32>
    %eq3A_324 = arith.cmpi eq, %iota3A, %eq3A_323 : vector<16xi32>
    %broadcast_in_dim3A_325 = vector.broadcast %reduce_max3A_321 : f32 to vector<16xf32>
    %select_n3A_326 = arith.select %eq3A_324, %broadcast_in_dim3A_325, %select_n3A_317 : vector<16xi1>, vector<16xf32>
    %eq3A_327 = vector.broadcast %reduce_max3A_321 : f32 to vector<16xf32>
    %eq3A_328 = arith.cmpf oeq, %scan3A_71#10, %eq3A_327 : vector<16xf32>
    %all_reduce_ffs3A_329 = tpu.all_reduce %eq3A_328 {dim = 0 : i64, kind = #tpu.reduction_kind<find_first_set>} : vector<16xi1> -> vector<16xi32>
    %eq3A_330 = arith.cmpi eq, %iota3A, %all_reduce_ffs3A_329 : vector<16xi32>
    %select_n3A_331 = arith.select %eq3A_330, %scan3A_71#11, %scan3A_71#10 : vector<16xi1>, vector<16xf32>
    %select_n3A_332 = arith.select %eq3A_330, %scan3A_71#12, %scan3A_71#11 : vector<16xi1>, vector<16xf32>
    %select_n3A_333 = arith.select %eq3A_330, %scan3A_71#13, %scan3A_71#12 : vector<16xi1>, vector<16xf32>
    %select_n3A_334 = arith.select %eq3A_330, %scan3A_71#14, %scan3A_71#13 : vector<16xi1>, vector<16xf32>
    %select_n3A_335 = arith.select %eq3A_330, %broadcast_in_dim3A_34, %scan3A_71#14 : vector<16xi1>, vector<16xf32>
    %reduce_max3A_336 = arith.constant true
    %reduce_max3A_337 = vector.broadcast %reduce_max3A_336 : i1 to vector<16xi1>
    %reduce_max3A_338 = tpu.scan <max>, %select_n3A_331 masked %reduce_max3A_337 : vector<16xf32>, vector<16xi1> -> vector<16xf32>
    %reduce_max3A_339 = vector.extract %reduce_max3A_338[15] : f32 from vector<16xf32>
    %eq3A_340 = arith.constant 1 : i32
    %eq3A_341 = vector.broadcast %eq3A_340 : i32 to vector<16xi32>
    %eq3A_342 = arith.cmpi eq, %iota3A, %eq3A_341 : vector<16xi32>
    %broadcast_in_dim3A_343 = vector.broadcast %reduce_max3A_339 : f32 to vector<16xf32>
    %select_n3A_344 = arith.select %eq3A_342, %broadcast_in_dim3A_343, %select_n3A_326 : vector<16xi1>, vector<16xf32>
    %eq3A_345 = vector.broadcast %reduce_max3A_339 : f32 to vector<16xf32>
    %eq3A_346 = arith.cmpf oeq, %select_n3A_331, %eq3A_345 : vector<16xf32>
    %all_reduce_ffs3A_347 = tpu.all_reduce %eq3A_346 {dim = 0 : i64, kind = #tpu.reduction_kind<find_first_set>} : vector<16xi1> -> vector<16xi32>
    %eq3A_348 = arith.cmpi eq, %iota3A, %all_reduce_ffs3A_347 : vector<16xi32>
    %select_n3A_349 = arith.select %eq3A_348, %select_n3A_332, %select_n3A_331 : vector<16xi1>, vector<16xf32>
    %select_n3A_350 = arith.select %eq3A_348, %select_n3A_333, %select_n3A_332 : vector<16xi1>, vector<16xf32>
    %select_n3A_351 = arith.select %eq3A_348, %select_n3A_334, %select_n3A_333 : vector<16xi1>, vector<16xf32>
    %select_n3A_352 = arith.select %eq3A_348, %select_n3A_335, %select_n3A_334 : vector<16xi1>, vector<16xf32>
    %select_n3A_353 = arith.select %eq3A_348, %broadcast_in_dim3A_34, %select_n3A_335 : vector<16xi1>, vector<16xf32>
    %reduce_max3A_354 = arith.constant true
    %reduce_max3A_355 = vector.broadcast %reduce_max3A_354 : i1 to vector<16xi1>
    %reduce_max3A_356 = tpu.scan <max>, %select_n3A_349 masked %reduce_max3A_355 : vector<16xf32>, vector<16xi1> -> vector<16xf32>
    %reduce_max3A_357 = vector.extract %reduce_max3A_356[15] : f32 from vector<16xf32>
    %eq3A_358 = arith.constant 2 : i32
    %eq3A_359 = vector.broadcast %eq3A_358 : i32 to vector<16xi32>
    %eq3A_360 = arith.cmpi eq, %iota3A, %eq3A_359 : vector<16xi32>
    %broadcast_in_dim3A_361 = vector.broadcast %reduce_max3A_357 : f32 to vector<16xf32>
    %select_n3A_362 = arith.select %eq3A_360, %broadcast_in_dim3A_361, %select_n3A_344 : vector<16xi1>, vector<16xf32>
    %eq3A_363 = vector.broadcast %reduce_max3A_357 : f32 to vector<16xf32>
    %eq3A_364 = arith.cmpf oeq, %select_n3A_349, %eq3A_363 : vector<16xf32>
    %all_reduce_ffs3A_365 = tpu.all_reduce %eq3A_364 {dim = 0 : i64, kind = #tpu.reduction_kind<find_first_set>} : vector<16xi1> -> vector<16xi32>
    %eq3A_366 = arith.cmpi eq, %iota3A, %all_reduce_ffs3A_365 : vector<16xi32>
    %select_n3A_367 = arith.select %eq3A_366, %select_n3A_350, %select_n3A_349 : vector<16xi1>, vector<16xf32>
    %select_n3A_368 = arith.select %eq3A_366, %select_n3A_351, %select_n3A_350 : vector<16xi1>, vector<16xf32>
    %select_n3A_369 = arith.select %eq3A_366, %select_n3A_352, %select_n3A_351 : vector<16xi1>, vector<16xf32>
    %select_n3A_370 = arith.select %eq3A_366, %select_n3A_353, %select_n3A_352 : vector<16xi1>, vector<16xf32>
    %select_n3A_371 = arith.select %eq3A_366, %broadcast_in_dim3A_34, %select_n3A_353 : vector<16xi1>, vector<16xf32>
    %reduce_max3A_372 = arith.constant true
    %reduce_max3A_373 = vector.broadcast %reduce_max3A_372 : i1 to vector<16xi1>
    %reduce_max3A_374 = tpu.scan <max>, %select_n3A_367 masked %reduce_max3A_373 : vector<16xf32>, vector<16xi1> -> vector<16xf32>
    %reduce_max3A_375 = vector.extract %reduce_max3A_374[15] : f32 from vector<16xf32>
    %eq3A_376 = arith.constant 3 : i32
    %eq3A_377 = vector.broadcast %eq3A_376 : i32 to vector<16xi32>
    %eq3A_378 = arith.cmpi eq, %iota3A, %eq3A_377 : vector<16xi32>
    %broadcast_in_dim3A_379 = vector.broadcast %reduce_max3A_375 : f32 to vector<16xf32>
    %select_n3A_380 = arith.select %eq3A_378, %broadcast_in_dim3A_379, %select_n3A_362 : vector<16xi1>, vector<16xf32>
    %eq3A_381 = vector.broadcast %reduce_max3A_375 : f32 to vector<16xf32>
    %eq3A_382 = arith.cmpf oeq, %select_n3A_367, %eq3A_381 : vector<16xf32>
    %all_reduce_ffs3A_383 = tpu.all_reduce %eq3A_382 {dim = 0 : i64, kind = #tpu.reduction_kind<find_first_set>} : vector<16xi1> -> vector<16xi32>
    %eq3A_384 = arith.cmpi eq, %iota3A, %all_reduce_ffs3A_383 : vector<16xi32>
    %select_n3A_385 = arith.select %eq3A_384, %select_n3A_368, %select_n3A_367 : vector<16xi1>, vector<16xf32>
    %select_n3A_386 = arith.select %eq3A_384, %select_n3A_369, %select_n3A_368 : vector<16xi1>, vector<16xf32>
    %select_n3A_387 = arith.select %eq3A_384, %select_n3A_370, %select_n3A_369 : vector<16xi1>, vector<16xf32>
    %select_n3A_388 = arith.select %eq3A_384, %select_n3A_371, %select_n3A_370 : vector<16xi1>, vector<16xf32>
    %select_n3A_389 = arith.select %eq3A_384, %broadcast_in_dim3A_34, %select_n3A_371 : vector<16xi1>, vector<16xf32>
    %reduce_max3A_390 = arith.constant true
    %reduce_max3A_391 = vector.broadcast %reduce_max3A_390 : i1 to vector<16xi1>
    %reduce_max3A_392 = tpu.scan <max>, %select_n3A_385 masked %reduce_max3A_391 : vector<16xf32>, vector<16xi1> -> vector<16xf32>
    %reduce_max3A_393 = vector.extract %reduce_max3A_392[15] : f32 from vector<16xf32>
    %eq3A_394 = arith.constant 4 : i32
    %eq3A_395 = vector.broadcast %eq3A_394 : i32 to vector<16xi32>
    %eq3A_396 = arith.cmpi eq, %iota3A, %eq3A_395 : vector<16xi32>
    %broadcast_in_dim3A_397 = vector.broadcast %reduce_max3A_393 : f32 to vector<16xf32>
    %select_n3A_398 = arith.select %eq3A_396, %broadcast_in_dim3A_397, %select_n3A_380 : vector<16xi1>, vector<16xf32>
    %eq3A_399 = vector.broadcast %reduce_max3A_393 : f32 to vector<16xf32>
    %eq3A_400 = arith.cmpf oeq, %select_n3A_385, %eq3A_399 : vector<16xf32>
    %all_reduce_ffs3A_401 = tpu.all_reduce %eq3A_400 {dim = 0 : i64, kind = #tpu.reduction_kind<find_first_set>} : vector<16xi1> -> vector<16xi32>
    %eq3A_402 = arith.cmpi eq, %iota3A, %all_reduce_ffs3A_401 : vector<16xi32>
    %select_n3A_403 = arith.select %eq3A_402, %select_n3A_386, %select_n3A_385 : vector<16xi1>, vector<16xf32>
    %select_n3A_404 = arith.select %eq3A_402, %select_n3A_387, %select_n3A_386 : vector<16xi1>, vector<16xf32>
    %select_n3A_405 = arith.select %eq3A_402, %select_n3A_388, %select_n3A_387 : vector<16xi1>, vector<16xf32>
    %select_n3A_406 = arith.select %eq3A_402, %select_n3A_389, %select_n3A_388 : vector<16xi1>, vector<16xf32>
    %select_n3A_407 = arith.select %eq3A_402, %broadcast_in_dim3A_34, %select_n3A_389 : vector<16xi1>, vector<16xf32>
    %reduce_min3A_408 = arith.constant true
    %reduce_min3A_409 = vector.broadcast %reduce_min3A_408 : i1 to vector<16xi1>
    %reduce_min3A_410 = tpu.scan <min>, %scan3A_71#15 masked %reduce_min3A_409 : vector<16xf32>, vector<16xi1> -> vector<16xf32>
    %reduce_min3A_411 = vector.extract %reduce_min3A_410[15] : f32 from vector<16xf32>
    %eq3A_412 = arith.constant 9 : i32
    %eq3A_413 = vector.broadcast %eq3A_412 : i32 to vector<16xi32>
    %eq3A_414 = arith.cmpi eq, %iota3A, %eq3A_413 : vector<16xi32>
    %broadcast_in_dim3A_415 = vector.broadcast %reduce_min3A_411 : f32 to vector<16xf32>
    %select_n3A_416 = arith.select %eq3A_414, %broadcast_in_dim3A_415, %select_n3A_398 : vector<16xi1>, vector<16xf32>
    %eq3A_417 = vector.broadcast %reduce_min3A_411 : f32 to vector<16xf32>
    %eq3A_418 = arith.cmpf oeq, %scan3A_71#15, %eq3A_417 : vector<16xf32>
    %all_reduce_ffs3A_419 = tpu.all_reduce %eq3A_418 {dim = 0 : i64, kind = #tpu.reduction_kind<find_first_set>} : vector<16xi1> -> vector<16xi32>
    %eq3A_420 = arith.cmpi eq, %iota3A, %all_reduce_ffs3A_419 : vector<16xi32>
    %select_n3A_421 = arith.select %eq3A_420, %scan3A_71#16, %scan3A_71#15 : vector<16xi1>, vector<16xf32>
    %select_n3A_422 = arith.select %eq3A_420, %scan3A_71#17, %scan3A_71#16 : vector<16xi1>, vector<16xf32>
    %select_n3A_423 = arith.select %eq3A_420, %scan3A_71#18, %scan3A_71#17 : vector<16xi1>, vector<16xf32>
    %select_n3A_424 = arith.select %eq3A_420, %scan3A_71#19, %scan3A_71#18 : vector<16xi1>, vector<16xf32>
    %select_n3A_425 = arith.select %eq3A_420, %broadcast_in_dim3A_36, %scan3A_71#19 : vector<16xi1>, vector<16xf32>
    %reduce_min3A_426 = arith.constant true
    %reduce_min3A_427 = vector.broadcast %reduce_min3A_426 : i1 to vector<16xi1>
    %reduce_min3A_428 = tpu.scan <min>, %select_n3A_421 masked %reduce_min3A_427 : vector<16xf32>, vector<16xi1> -> vector<16xf32>
    %reduce_min3A_429 = vector.extract %reduce_min3A_428[15] : f32 from vector<16xf32>
    %eq3A_430 = arith.constant 8 : i32
    %eq3A_431 = vector.broadcast %eq3A_430 : i32 to vector<16xi32>
    %eq3A_432 = arith.cmpi eq, %iota3A, %eq3A_431 : vector<16xi32>
    %broadcast_in_dim3A_433 = vector.broadcast %reduce_min3A_429 : f32 to vector<16xf32>
    %select_n3A_434 = arith.select %eq3A_432, %broadcast_in_dim3A_433, %select_n3A_416 : vector<16xi1>, vector<16xf32>
    %eq3A_435 = vector.broadcast %reduce_min3A_429 : f32 to vector<16xf32>
    %eq3A_436 = arith.cmpf oeq, %select_n3A_421, %eq3A_435 : vector<16xf32>
    %all_reduce_ffs3A_437 = tpu.all_reduce %eq3A_436 {dim = 0 : i64, kind = #tpu.reduction_kind<find_first_set>} : vector<16xi1> -> vector<16xi32>
    %eq3A_438 = arith.cmpi eq, %iota3A, %all_reduce_ffs3A_437 : vector<16xi32>
    %select_n3A_439 = arith.select %eq3A_438, %select_n3A_422, %select_n3A_421 : vector<16xi1>, vector<16xf32>
    %select_n3A_440 = arith.select %eq3A_438, %select_n3A_423, %select_n3A_422 : vector<16xi1>, vector<16xf32>
    %select_n3A_441 = arith.select %eq3A_438, %select_n3A_424, %select_n3A_423 : vector<16xi1>, vector<16xf32>
    %select_n3A_442 = arith.select %eq3A_438, %select_n3A_425, %select_n3A_424 : vector<16xi1>, vector<16xf32>
    %select_n3A_443 = arith.select %eq3A_438, %broadcast_in_dim3A_36, %select_n3A_425 : vector<16xi1>, vector<16xf32>
    %reduce_min3A_444 = arith.constant true
    %reduce_min3A_445 = vector.broadcast %reduce_min3A_444 : i1 to vector<16xi1>
    %reduce_min3A_446 = tpu.scan <min>, %select_n3A_439 masked %reduce_min3A_445 : vector<16xf32>, vector<16xi1> -> vector<16xf32>
    %reduce_min3A_447 = vector.extract %reduce_min3A_446[15] : f32 from vector<16xf32>
    %eq3A_448 = arith.constant 7 : i32
    %eq3A_449 = vector.broadcast %eq3A_448 : i32 to vector<16xi32>
    %eq3A_450 = arith.cmpi eq, %iota3A, %eq3A_449 : vector<16xi32>
    %broadcast_in_dim3A_451 = vector.broadcast %reduce_min3A_447 : f32 to vector<16xf32>
    %select_n3A_452 = arith.select %eq3A_450, %broadcast_in_dim3A_451, %select_n3A_434 : vector<16xi1>, vector<16xf32>
    %eq3A_453 = vector.broadcast %reduce_min3A_447 : f32 to vector<16xf32>
    %eq3A_454 = arith.cmpf oeq, %select_n3A_439, %eq3A_453 : vector<16xf32>
    %all_reduce_ffs3A_455 = tpu.all_reduce %eq3A_454 {dim = 0 : i64, kind = #tpu.reduction_kind<find_first_set>} : vector<16xi1> -> vector<16xi32>
    %eq3A_456 = arith.cmpi eq, %iota3A, %all_reduce_ffs3A_455 : vector<16xi32>
    %select_n3A_457 = arith.select %eq3A_456, %select_n3A_440, %select_n3A_439 : vector<16xi1>, vector<16xf32>
    %select_n3A_458 = arith.select %eq3A_456, %select_n3A_441, %select_n3A_440 : vector<16xi1>, vector<16xf32>
    %select_n3A_459 = arith.select %eq3A_456, %select_n3A_442, %select_n3A_441 : vector<16xi1>, vector<16xf32>
    %select_n3A_460 = arith.select %eq3A_456, %select_n3A_443, %select_n3A_442 : vector<16xi1>, vector<16xf32>
    %select_n3A_461 = arith.select %eq3A_456, %broadcast_in_dim3A_36, %select_n3A_443 : vector<16xi1>, vector<16xf32>
    %reduce_min3A_462 = arith.constant true
    %reduce_min3A_463 = vector.broadcast %reduce_min3A_462 : i1 to vector<16xi1>
    %reduce_min3A_464 = tpu.scan <min>, %select_n3A_457 masked %reduce_min3A_463 : vector<16xf32>, vector<16xi1> -> vector<16xf32>
    %reduce_min3A_465 = vector.extract %reduce_min3A_464[15] : f32 from vector<16xf32>
    %eq3A_466 = arith.constant 6 : i32
    %eq3A_467 = vector.broadcast %eq3A_466 : i32 to vector<16xi32>
    %eq3A_468 = arith.cmpi eq, %iota3A, %eq3A_467 : vector<16xi32>
    %broadcast_in_dim3A_469 = vector.broadcast %reduce_min3A_465 : f32 to vector<16xf32>
    %select_n3A_470 = arith.select %eq3A_468, %broadcast_in_dim3A_469, %select_n3A_452 : vector<16xi1>, vector<16xf32>
    %eq3A_471 = vector.broadcast %reduce_min3A_465 : f32 to vector<16xf32>
    %eq3A_472 = arith.cmpf oeq, %select_n3A_457, %eq3A_471 : vector<16xf32>
    %all_reduce_ffs3A_473 = tpu.all_reduce %eq3A_472 {dim = 0 : i64, kind = #tpu.reduction_kind<find_first_set>} : vector<16xi1> -> vector<16xi32>
    %eq3A_474 = arith.cmpi eq, %iota3A, %all_reduce_ffs3A_473 : vector<16xi32>
    %select_n3A_475 = arith.select %eq3A_474, %select_n3A_458, %select_n3A_457 : vector<16xi1>, vector<16xf32>
    %select_n3A_476 = arith.select %eq3A_474, %select_n3A_459, %select_n3A_458 : vector<16xi1>, vector<16xf32>
    %select_n3A_477 = arith.select %eq3A_474, %select_n3A_460, %select_n3A_459 : vector<16xi1>, vector<16xf32>
    %select_n3A_478 = arith.select %eq3A_474, %select_n3A_461, %select_n3A_460 : vector<16xi1>, vector<16xf32>
    %select_n3A_479 = arith.select %eq3A_474, %broadcast_in_dim3A_36, %select_n3A_461 : vector<16xi1>, vector<16xf32>
    %reduce_min3A_480 = arith.constant true
    %reduce_min3A_481 = vector.broadcast %reduce_min3A_480 : i1 to vector<16xi1>
    %reduce_min3A_482 = tpu.scan <min>, %select_n3A_475 masked %reduce_min3A_481 : vector<16xf32>, vector<16xi1> -> vector<16xf32>
    %reduce_min3A_483 = vector.extract %reduce_min3A_482[15] : f32 from vector<16xf32>
    %eq3A_484 = arith.constant 5 : i32
    %eq3A_485 = vector.broadcast %eq3A_484 : i32 to vector<16xi32>
    %eq3A_486 = arith.cmpi eq, %iota3A, %eq3A_485 : vector<16xi32>
    %broadcast_in_dim3A_487 = vector.broadcast %reduce_min3A_483 : f32 to vector<16xf32>
    %select_n3A_488 = arith.select %eq3A_486, %broadcast_in_dim3A_487, %select_n3A_470 : vector<16xi1>, vector<16xf32>
    %eq3A_489 = vector.broadcast %reduce_min3A_483 : f32 to vector<16xf32>
    %eq3A_490 = arith.cmpf oeq, %select_n3A_475, %eq3A_489 : vector<16xf32>
    %all_reduce_ffs3A_491 = tpu.all_reduce %eq3A_490 {dim = 0 : i64, kind = #tpu.reduction_kind<find_first_set>} : vector<16xi1> -> vector<16xi32>
    %eq3A_492 = arith.cmpi eq, %iota3A, %all_reduce_ffs3A_491 : vector<16xi32>
    %select_n3A_493 = arith.select %eq3A_492, %select_n3A_476, %select_n3A_475 : vector<16xi1>, vector<16xf32>
    %select_n3A_494 = arith.select %eq3A_492, %select_n3A_477, %select_n3A_476 : vector<16xi1>, vector<16xf32>
    %select_n3A_495 = arith.select %eq3A_492, %select_n3A_478, %select_n3A_477 : vector<16xi1>, vector<16xf32>
    %select_n3A_496 = arith.select %eq3A_492, %select_n3A_479, %select_n3A_478 : vector<16xi1>, vector<16xf32>
    %select_n3A_497 = arith.select %eq3A_492, %broadcast_in_dim3A_36, %select_n3A_479 : vector<16xi1>, vector<16xf32>
    %get3A_498 = arith.constant 0 : index
    %get3A_499 = tpu.vector_load %arg6[%get3A_498] {strides = array<i32>} : memref<80xf32, #tpu.memory_space<vmem>>, vector<16xf32>,
    %eq3A_500 = arith.constant 0 : i32
    %eq3A_501 = vector.broadcast %eq3A_500 : i32 to vector<16xi32>
    %eq3A_502 = arith.cmpi eq, %iota3A, %eq3A_501 : vector<16xi32>
    %mul3A_503 = arith.mulf %select_n3A_488, %get3A_499 : vector<16xf32>
    %reduce_sum3A_504 = arith.constant true
    %reduce_sum3A_505 = vector.broadcast %reduce_sum3A_504 : i1 to vector<16xi1>
    %reduce_sum3A_506 = tpu.scan <sum>, %mul3A_503 masked %reduce_sum3A_505 : vector<16xf32>, vector<16xi1> -> vector<16xf32>
    %reduce_sum3A_507 = vector.extract %reduce_sum3A_506[15] : f32 from vector<16xf32>
    %broadcast_in_dim3A_508 = vector.broadcast %reduce_sum3A_507 : f32 to vector<16xf32>
    %select_n3A_509 = arith.select %eq3A_502, %broadcast_in_dim3A_508, %broadcast_in_dim3A_38 : vector<16xi1>, vector<16xf32>
    %get3A_510 = arith.constant 16 : index
    %get3A_511 = tpu.vector_load %arg6[%get3A_510] {strides = array<i32>} : memref<80xf32, #tpu.memory_space<vmem>>, vector<16xf32>,
    %eq3A_512 = arith.constant 1 : i32
    %eq3A_513 = vector.broadcast %eq3A_512 : i32 to vector<16xi32>
    %eq3A_514 = arith.cmpi eq, %iota3A, %eq3A_513 : vector<16xi32>
    %mul3A_515 = arith.mulf %select_n3A_488, %get3A_511 : vector<16xf32>
    %reduce_sum3A_516 = arith.constant true
    %reduce_sum3A_517 = vector.broadcast %reduce_sum3A_516 : i1 to vector<16xi1>
    %reduce_sum3A_518 = tpu.scan <sum>, %mul3A_515 masked %reduce_sum3A_517 : vector<16xf32>, vector<16xi1> -> vector<16xf32>
    %reduce_sum3A_519 = vector.extract %reduce_sum3A_518[15] : f32 from vector<16xf32>
    %broadcast_in_dim3A_520 = vector.broadcast %reduce_sum3A_519 : f32 to vector<16xf32>
    %select_n3A_521 = arith.select %eq3A_514, %broadcast_in_dim3A_520, %select_n3A_509 : vector<16xi1>, vector<16xf32>
    %get3A_522 = arith.constant 32 : index
    %get3A_523 = tpu.vector_load %arg6[%get3A_522] {strides = array<i32>} : memref<80xf32, #tpu.memory_space<vmem>>, vector<16xf32>,
    %eq3A_524 = arith.constant 2 : i32
    %eq3A_525 = vector.broadcast %eq3A_524 : i32 to vector<16xi32>
    %eq3A_526 = arith.cmpi eq, %iota3A, %eq3A_525 : vector<16xi32>
    %mul3A_527 = arith.mulf %select_n3A_488, %get3A_523 : vector<16xf32>
    %reduce_sum3A_528 = arith.constant true
    %reduce_sum3A_529 = vector.broadcast %reduce_sum3A_528 : i1 to vector<16xi1>
    %reduce_sum3A_530 = tpu.scan <sum>, %mul3A_527 masked %reduce_sum3A_529 : vector<16xf32>, vector<16xi1> -> vector<16xf32>
    %reduce_sum3A_531 = vector.extract %reduce_sum3A_530[15] : f32 from vector<16xf32>
    %broadcast_in_dim3A_532 = vector.broadcast %reduce_sum3A_531 : f32 to vector<16xf32>
    %select_n3A_533 = arith.select %eq3A_526, %broadcast_in_dim3A_532, %select_n3A_521 : vector<16xi1>, vector<16xf32>
    %get3A_534 = arith.constant 48 : index
    %get3A_535 = tpu.vector_load %arg6[%get3A_534] {strides = array<i32>} : memref<80xf32, #tpu.memory_space<vmem>>, vector<16xf32>,
    %eq3A_536 = arith.constant 3 : i32
    %eq3A_537 = vector.broadcast %eq3A_536 : i32 to vector<16xi32>
    %eq3A_538 = arith.cmpi eq, %iota3A, %eq3A_537 : vector<16xi32>
    %mul3A_539 = arith.mulf %select_n3A_488, %get3A_535 : vector<16xf32>
    %reduce_sum3A_540 = arith.constant true
    %reduce_sum3A_541 = vector.broadcast %reduce_sum3A_540 : i1 to vector<16xi1>
    %reduce_sum3A_542 = tpu.scan <sum>, %mul3A_539 masked %reduce_sum3A_541 : vector<16xf32>, vector<16xi1> -> vector<16xf32>
    %reduce_sum3A_543 = vector.extract %reduce_sum3A_542[15] : f32 from vector<16xf32>
    %broadcast_in_dim3A_544 = vector.broadcast %reduce_sum3A_543 : f32 to vector<16xf32>
    %select_n3A_545 = arith.select %eq3A_538, %broadcast_in_dim3A_544, %select_n3A_533 : vector<16xi1>, vector<16xf32>
    %get3A_546 = arith.constant 64 : index
    %get3A_547 = tpu.vector_load %arg6[%get3A_546] {strides = array<i32>} : memref<80xf32, #tpu.memory_space<vmem>>, vector<16xf32>,
    %eq3A_548 = arith.constant 4 : i32
    %eq3A_549 = vector.broadcast %eq3A_548 : i32 to vector<16xi32>
    %eq3A_550 = arith.cmpi eq, %iota3A, %eq3A_549 : vector<16xi32>
    %mul3A_551 = arith.mulf %select_n3A_488, %get3A_547 : vector<16xf32>
    %reduce_sum3A_552 = arith.constant true
    %reduce_sum3A_553 = vector.broadcast %reduce_sum3A_552 : i1 to vector<16xi1>
    %reduce_sum3A_554 = tpu.scan <sum>, %mul3A_551 masked %reduce_sum3A_553 : vector<16xf32>, vector<16xi1> -> vector<16xf32>
    %reduce_sum3A_555 = vector.extract %reduce_sum3A_554[15] : f32 from vector<16xf32>
    %broadcast_in_dim3A_556 = vector.broadcast %reduce_sum3A_555 : f32 to vector<16xf32>
    %select_n3A_557 = arith.select %eq3A_550, %broadcast_in_dim3A_556, %select_n3A_545 : vector<16xi1>, vector<16xf32>
    %swap3A_558 = arith.constant 16 : index
    %swap3A_559 = tpu.vector_load %arg7[%swap3A_558] {strides = array<i32>} : memref<32xf32, #tpu.memory_space<vmem>>, vector<16xf32>,
    tpu.vector_store %arg7[%swap3A_558], %select_n3A_557 {strides = array<i32>} : memref<32xf32, #tpu.memory_space<vmem>>, vector<16xf32>,
    %mul3A_560 = arith.constant 32 : i32
    %mul3A_561 = arith.muli %add3A, %mul3A_560 : i32
    "tpu.region"() ({
      %run_scoped3A = tpu.sem_alloc : memref<!tpu.dma_semaphore, #tpu.memory_space<semaphore_mem>>
      %dma_start3A_562 = tpu.memref_slice %arg4[%mul3A_561] : memref<1024xf32, #tpu.memory_space<hbm>> -> memref<32xf32, #tpu.memory_space<hbm>>
      %dma_start3A_563 = tpu.memref_slice %arg4[%mul3A_561] : memref<1024xf32, #tpu.memory_space<hbm>> -> memref<32xf32, #tpu.memory_space<hbm>>
      tpu.enqueue_dma source(%arg7 : memref<32xf32, #tpu.memory_space<vmem>>) target(%dma_start3A_563 : memref<32xf32, #tpu.memory_space<hbm>>) target_semaphore(%run_scoped3A : memref<!tpu.dma_semaphore, #tpu.memory_space<semaphore_mem>>)
      %dma_wait3A_564 = tpu.memref_slice %arg4[%mul3A_561] : memref<1024xf32, #tpu.memory_space<hbm>> -> memref<32xf32, #tpu.memory_space<hbm>>
      %dma_wait3A_565 = tpu.memref_slice %arg4[%mul3A_561] : memref<1024xf32, #tpu.memory_space<hbm>> -> memref<32xf32, #tpu.memory_space<hbm>>
      tpu.wait_dma2 semaphore(%run_scoped3A : memref<!tpu.dma_semaphore, #tpu.memory_space<semaphore_mem>>) src(%arg7 : memref<32xf32, #tpu.memory_space<vmem>>) dst(%dma_wait3A_565 : memref<32xf32, #tpu.memory_space<hbm>>)
      tpu.yield
    }) : () -> ()
    return
  }
}

module attributes {stable_mosaic.version = 14 : i64} {
  func.func @_score_body(%arg0: i32, %arg1: memref<2x4096x128xf32, #tpu.memory_space<vmem>>, %arg2: memref<2x4096x128xf32, #tpu.memory_space<vmem>>, %arg3: memref<1x128xf32, #tpu.memory_space<vmem>>, %arg4: memref<2x1x8192xf32, #tpu.memory_space<vmem>>) attributes {dimension_semantics = [#tpu.dimension_semantics<arbitrary>], iteration_bounds = array<i64: 32>, scalar_prefetch = 0 : i64, scratch_operands = 0 : i64, tpu.core_type = #tpu.core_type<tc>, window_params = [{transform_indices = @transform_0, window_bounds = array<i64: 2, 4096, 128>}, {transform_indices = @transform_1, window_bounds = array<i64: 2, 4096, 128>}, {pipeline_mode = #tpu.pipeline_mode<synchronous>, transform_indices = @transform_2, window_bounds = array<i64: 1, 128>}, {transform_indices = @transform_3, window_bounds = array<i64: 2, 1, 8192>}]} {
    %get3A = arith.constant 0 : index
    %get3A_0 = arith.constant 0 : index
    %get3A_1 = vector.load %arg3[%get3A, %get3A_0] : memref<1x128xf32, #tpu.memory_space<vmem>>, vector<1x128xf32>
    %get3A_2 = arith.constant 0 : index
    %get3A_3 = arith.constant 0 : index
    %get3A_4 = arith.constant 0 : index
    %get3A_5 = vector.load %arg1[%get3A_2, %get3A_3, %get3A_4] : memref<2x4096x128xf32, #tpu.memory_space<vmem>>, vector<1x4096x128xf32>
    %get3A_6 = vector.shape_cast %get3A_5 : vector<1x4096x128xf32> to vector<4096x128xf32>
    %dot_general3A = arith.constant dense<0.000000e+00> : vector<1x4096xf32>
    %dot_general3A_7 = tpu.matmul %get3A_1, %get3A_6, %dot_general3A {dimension_numbers = #tpu.dot_dimension_numbers<[1], [1], [0], [0], [0, 0, 1, 0], [], []>, transpose_lhs_hint = false} : vector<1x128xf32>, vector<4096x128xf32>, vector<1x4096xf32> -> vector<1x4096xf32>
    %squeeze3A = vector.shape_cast %dot_general3A_7 : vector<1x4096xf32> to vector<4096xf32>
    %swap3A = arith.constant 0 : index
    %swap3A_8 = arith.constant 0 : index
    %swap3A_9 = arith.constant 0 : index
    %swap3A_10 = vector.load %arg4[%swap3A, %swap3A_8, %swap3A_9] : memref<2x1x8192xf32, #tpu.memory_space<vmem>>, vector<1x1x4096xf32>
    %swap3A_11 = vector.shape_cast %swap3A_10 : vector<1x1x4096xf32> to vector<4096xf32>
    %swap3A_12 = vector.shape_cast %squeeze3A : vector<4096xf32> to vector<1x1x4096xf32>
    tpu.vector_store %arg4[%swap3A, %swap3A_8, %swap3A_9], %swap3A_12 {strides = array<i32>} : memref<2x1x8192xf32, #tpu.memory_space<vmem>>, vector<1x1x4096xf32>,
    %get3A_13 = arith.constant 0 : index
    %get3A_14 = arith.constant 0 : index
    %get3A_15 = arith.constant 0 : index
    %get3A_16 = vector.load %arg2[%get3A_13, %get3A_14, %get3A_15] : memref<2x4096x128xf32, #tpu.memory_space<vmem>>, vector<1x4096x128xf32>
    %get3A_17 = vector.shape_cast %get3A_16 : vector<1x4096x128xf32> to vector<4096x128xf32>
    %dot_general3A_18 = arith.constant dense<0.000000e+00> : vector<1x4096xf32>
    %dot_general3A_19 = tpu.matmul %get3A_1, %get3A_17, %dot_general3A_18 {dimension_numbers = #tpu.dot_dimension_numbers<[1], [1], [0], [0], [0, 0, 1, 0], [], []>, transpose_lhs_hint = false} : vector<1x128xf32>, vector<4096x128xf32>, vector<1x4096xf32> -> vector<1x4096xf32>
    %squeeze3A_20 = vector.shape_cast %dot_general3A_19 : vector<1x4096xf32> to vector<4096xf32>
    %swap3A_21 = arith.constant 0 : index
    %swap3A_22 = arith.constant 0 : index
    %swap3A_23 = arith.constant 4096 : index
    %swap3A_24 = vector.load %arg4[%swap3A_21, %swap3A_22, %swap3A_23] : memref<2x1x8192xf32, #tpu.memory_space<vmem>>, vector<1x1x4096xf32>
    %swap3A_25 = vector.shape_cast %swap3A_24 : vector<1x1x4096xf32> to vector<4096xf32>
    %swap3A_26 = vector.shape_cast %squeeze3A_20 : vector<4096xf32> to vector<1x1x4096xf32>
    tpu.vector_store %arg4[%swap3A_21, %swap3A_22, %swap3A_23], %swap3A_26 {strides = array<i32>} : memref<2x1x8192xf32, #tpu.memory_space<vmem>>, vector<1x1x4096xf32>,
    %get3A_27 = arith.constant 1 : index
    %get3A_28 = arith.constant 0 : index
    %get3A_29 = arith.constant 0 : index
    %get3A_30 = vector.load %arg1[%get3A_27, %get3A_28, %get3A_29] : memref<2x4096x128xf32, #tpu.memory_space<vmem>>, vector<1x4096x128xf32>
    %get3A_31 = vector.shape_cast %get3A_30 : vector<1x4096x128xf32> to vector<4096x128xf32>
    %dot_general3A_32 = arith.constant dense<0.000000e+00> : vector<1x4096xf32>
    %dot_general3A_33 = tpu.matmul %get3A_1, %get3A_31, %dot_general3A_32 {dimension_numbers = #tpu.dot_dimension_numbers<[1], [1], [0], [0], [0, 0, 1, 0], [], []>, transpose_lhs_hint = false} : vector<1x128xf32>, vector<4096x128xf32>, vector<1x4096xf32> -> vector<1x4096xf32>
    %squeeze3A_34 = vector.shape_cast %dot_general3A_33 : vector<1x4096xf32> to vector<4096xf32>
    %swap3A_35 = arith.constant 1 : index
    %swap3A_36 = arith.constant 0 : index
    %swap3A_37 = arith.constant 0 : index
    %swap3A_38 = vector.load %arg4[%swap3A_35, %swap3A_36, %swap3A_37] : memref<2x1x8192xf32, #tpu.memory_space<vmem>>, vector<1x1x4096xf32>
    %swap3A_39 = vector.shape_cast %swap3A_38 : vector<1x1x4096xf32> to vector<4096xf32>
    %swap3A_40 = vector.shape_cast %squeeze3A_34 : vector<4096xf32> to vector<1x1x4096xf32>
    tpu.vector_store %arg4[%swap3A_35, %swap3A_36, %swap3A_37], %swap3A_40 {strides = array<i32>} : memref<2x1x8192xf32, #tpu.memory_space<vmem>>, vector<1x1x4096xf32>,
    %get3A_41 = arith.constant 1 : index
    %get3A_42 = arith.constant 0 : index
    %get3A_43 = arith.constant 0 : index
    %get3A_44 = vector.load %arg2[%get3A_41, %get3A_42, %get3A_43] : memref<2x4096x128xf32, #tpu.memory_space<vmem>>, vector<1x4096x128xf32>
    %get3A_45 = vector.shape_cast %get3A_44 : vector<1x4096x128xf32> to vector<4096x128xf32>
    %dot_general3A_46 = arith.constant dense<0.000000e+00> : vector<1x4096xf32>
    %dot_general3A_47 = tpu.matmul %get3A_1, %get3A_45, %dot_general3A_46 {dimension_numbers = #tpu.dot_dimension_numbers<[1], [1], [0], [0], [0, 0, 1, 0], [], []>, transpose_lhs_hint = false} : vector<1x128xf32>, vector<4096x128xf32>, vector<1x4096xf32> -> vector<1x4096xf32>
    %squeeze3A_48 = vector.shape_cast %dot_general3A_47 : vector<1x4096xf32> to vector<4096xf32>
    %swap3A_49 = arith.constant 1 : index
    %swap3A_50 = arith.constant 0 : index
    %swap3A_51 = arith.constant 4096 : index
    %swap3A_52 = vector.load %arg4[%swap3A_49, %swap3A_50, %swap3A_51] : memref<2x1x8192xf32, #tpu.memory_space<vmem>>, vector<1x1x4096xf32>
    %swap3A_53 = vector.shape_cast %swap3A_52 : vector<1x1x4096xf32> to vector<4096xf32>
    %swap3A_54 = vector.shape_cast %squeeze3A_48 : vector<4096xf32> to vector<1x1x4096xf32>
    tpu.vector_store %arg4[%swap3A_49, %swap3A_50, %swap3A_51], %swap3A_54 {strides = array<i32>} : memref<2x1x8192xf32, #tpu.memory_space<vmem>>, vector<1x1x4096xf32>,
    return
  }
  func.func @transform_0(%arg0: i32) -> (i32, i32, i32) {
    %add3A = arith.constant 0 : i32
    %add3A_0 = arith.addi %arg0, %add3A : i32
    %c0_i32 = arith.constant 0 : i32
    %c0_i32_1 = arith.constant 0 : i32
    %c0_i32_2 = arith.constant 0 : i32
    return %add3A_0, %c0_i32, %c0_i32_1 : i32, i32, i32
  }
  func.func @transform_1(%arg0: i32) -> (i32, i32, i32) {
    %add3A = arith.constant 0 : i32
    %add3A_0 = arith.addi %arg0, %add3A : i32
    %c1_i32 = arith.constant 1 : i32
    %c0_i32 = arith.constant 0 : i32
    %c0_i32_1 = arith.constant 0 : i32
    return %add3A_0, %c1_i32, %c0_i32 : i32, i32, i32
  }
  func.func @transform_2(%arg0: i32) -> (i32, i32) {
    %c0_i32 = arith.constant 0 : i32
    %c0_i32_0 = arith.constant 0 : i32
    %c0_i32_1 = arith.constant 0 : i32
    return %c0_i32, %c0_i32_0 : i32, i32
  }
  func.func @transform_3(%arg0: i32) -> (i32, i32, i32) {
    %c0_i32 = arith.constant 0 : i32
    %c0_i32_0 = arith.constant 0 : i32
    %c0_i32_1 = arith.constant 0 : i32
    return %arg0, %c0_i32, %c0_i32_0 : i32, i32, i32
  }
}

</mosaic_0001>

<sc_bundles>
// kernel: kernel.4.cloned.1.call-start
scs
__scs_entry_jumppad:
0x0: {  	(pc) =	sbr.rel $0x88, $3  }
0x1: {  	(tag) =	ssettag $0x0;
	lr =	simm.s32 $0x1  }
0x2: {  	[smem:$0x3F9C] =	sst lr;
	_ =	strace $0xD0000000  }
0x3: {  	_ = 	snop  }
0x4: {  	_ = 	snop  }
0x5: {  	_ = 	snop  }
0x6: {  	_ = 	snop  }
0x7: {  	_ = 	snop  }
__scs_overlays_trampoline_lowered:
0x8: {  	[smem:$0x3FAB] =	sst s0  }
0x9: {  	[smem:$0x3FAC] =	sst s1  }
0xa: {  	[smem:$0x3FAD] =	sst s2  }
0xb: {  	[smem:$0x3FAE] =	sst s3  }
0xc: {  	[smem:$0x3FAF] =	sst s4  }
0xd: {  	[smem:$0x3FB0] =	sst s5  }
0xe: {  	[smem:$0x3FB1] =	sst s6  }
0xf: {  	[smem:$0x3FB2] =	sst s7  }
0x10: {  	[smem:$0x3FB3] =	sst s8  }
0x11: {  	[smem:$0x3FB4] =	sst s9;
	s0 =	simm.s32 @!p0 $0x0  }
0x12: {  	s1 =	sld [smem:$0x3F9A];
	s0 =	simm.s32 @p0 $0x1  }
0x13: {  	[smem:$0x3FB5] =	sst s0;
	s0 =	simm.s32 @!p1 $0x0  }
0x14: {  	s2 =	sld [smem:$0x3F99];
	s0 =	simm.s32 @p1 $0x1  }
0x15: {  	[smem:$0x3FB6] =	sst s0;
	s0 =	simm.s32 @!p2 $0x0  }
0x16: {  	s3 =	sld [smem:$0x3FDB];
	s0 =	simm.s32 @p2 $0x1  }
0x17: {  	s4 =	simm.s32 $0x1BF5;
	[smem:$0x3FB8] =	sst s0  }
0x18: {  	s0 =	sld [smem:$0x3F9B];
	_ =	swait.ge [sflag:s4], $0x0  }
0x19: {  	s7 =	sld [smem:$0x3F9C]  }
0x1a: {  	s8 =	sadd.s32 $0xFFFFE003, lr  }
0x1b: {  	s9 =	sadd.s32 $0xFFFFFEF7, lr;
	s5 =	simm.s32 $0xFFFFFFFF;
	p2 =	slt.u32 s8, $0xFFFFF086  }
0x1c: {  	p1 =	slt.u32 s9, $0xF7A;
	s5 =	simm.s32 @!p2 $0x0  }
0x1d: {  	s5 =	simm.s32 @p1 $0x1;
	p0 =	seq.s32 s7, s2  }
0x1e: {  	s7 =	smul.u32 @!p0 $0xF7A, s2;
	p2 =	seq.s32 @!p0 s5, $0x0  }
0x1f: {  	s9 =	smul.u32 $0xF7A, s1;
	s8 =	simm.s32 @!p0 $0x1BF5;
	p2 =	por !p2, p0  }
0x20: {  	[sflag:s8] =	ssyncset.s32 @!p0 $0xFFFFF086;
	s6 =	sadd.s32 @!p0 s3, s7;
	s7 =	simm.s32 @!p0 $0x108  }
0x21: {  	s3 =	sadd.s32 s3, s9;
	s6 =	sadd.s32 @!p0 $0x88, s6;
	s7 =	simm.s32 @p2 $0x1082  }
0x22: {  	[simem:s7], [sflag:s8] =	dma.local @!p0 [hbm:s6], $0xF7A  }
0x23: {  	s9 =	sor.u32 $0xD0000000, s2;
	s6 =	simm.s32 $0x108;
	_ =	swait.ge @!p0 [sflag:s8], $0x0  }
0x24: {  	s3 =	sadd.s32 $0x88, s3;
	s6 =	simm.s32 @!p1 $0x1082;
	[sflag:s4] =	ssyncset.s32 $0xFFFFF086  }
0x25: {  	[simem:s6], [sflag:s4] =	dma.local [hbm:s3], $0xF7A  }
0x26: {  	[smem:$0x3F9C] =	sst s1;
	(tag) =	ssettag s2;
	_ =	strace s9  }
0x27: {  	s1 =	sld [smem:$0x3FAC]  }
0x28: {  	s2 =	sld [smem:$0x3FAD]  }
0x29: {  	s4 =	sld [smem:$0x3FAF]  }
0x2a: {  	p0 =	seq.s32 s5, $0x0;
	s5 =	sld [smem:$0x3FB0]  }
0x2b: {  	s6 =	sld [smem:$0x3FB1]  }
0x2c: {  	s7 =	sld [smem:$0x3FB2]  }
0x2d: {  	s3 =	simm.s32 $0x108;
	s8 =	sld [smem:$0x3FB3]  }
0x2e: {  	s3 =	simm.s32 @!p0 $0x1082;
	s9 =	sld [smem:$0x3FB4]  }
0x2f: {  	lr =	sadd.s32 s0, s3;
	s0 =	sld [smem:$0x3FAB]  }
0x30: {  	s3 =	sld [smem:$0x3FAE]  }
0x31: {  	[smem:$0x3FB7] =	sst s10  }
0x32: {  	s10 =	sld [smem:$0x3FB5];
	_ =	sdelay $0x3  }
0x33: {  	p0 =	seq.s32 s10, $0x1;
	s10 =	sld [smem:$0x3FB7];
	_ =	sdelay $0x3  }
0x34: {  	[smem:$0x3FB7] =	sst s10  }
0x35: {  	s10 =	sld [smem:$0x3FB6];
	_ =	sdelay $0x3  }
0x36: {  	p1 =	seq.s32 s10, $0x1;
	s10 =	sld [smem:$0x3FB7];
	_ =	sdelay $0x3  }
0x37: {  	[smem:$0x3FB7] =	sst s10  }
0x38: {  	s10 =	sld [smem:$0x3FB8]  }
0x39: {  	_ = 	snop;
	(pc) =	sbr.ind lr, $3  }
0x3a: {  	_ = 	snop  }
0x3b: {  	_ = 	snop  }
0x3c: {  	p2 =	seq.s32 s10, $0x1;
	s10 =	sld [smem:$0x3FB7]  }
0x3d: {  	_ =	shalt  }
0x3e: {  	_ =	shalt  }
0x3f: {  	_ =	shalt  }
0x40: {  	_ =	shalt  }
0x41: {  	_ =	shalt  }
0x42: {  	_ =	shalt  }
0x43: {  	_ =	shalt  }
0x44: {  	_ =	shalt  }
0x45: {  	_ =	shalt  }
0x46: {  	_ =	shalt  }
0x47: {  	_ =	shalt  }
0x48: {  	_ =	shalt  }
0x49: {  	_ =	shalt  }
0x4a: {  	_ =	shalt  }
0x4b: {  	_ =	shalt  }
0x4c: {  	_ =	shalt  }
0x4d: {  	_ =	shalt  }
0x4e: {  	_ =	shalt  }
0x4f: {  	_ =	shalt  }
0x50: {  	_ =	shalt  }
0x51: {  	_ =	shalt  }
0x52: {  	_ =	shalt  }
0x53: {  	_ =	shalt  }
0x54: {  	_ =	shalt  }
0x55: {  	_ =	shalt  }
0x56: {  	_ =	shalt  }
0x57: {  	_ =	shalt  }
0x58: {  	_ =	shalt  }
0x59: {  	_ =	shalt  }
0x5a: {  	_ =	shalt  }
0x5b: {  	_ =	shalt  }
0x5c: {  	_ =	shalt  }
0x5d: {  	_ =	shalt  }
0x5e: {  	_ =	shalt  }
0x5f: {  	_ =	shalt  }
0x60: {  	_ =	shalt  }
0x61: {  	_ =	shalt  }
0x62: {  	_ =	shalt  }
0x63: {  	_ =	shalt  }
0x64: {  	_ =	shalt  }
0x65: {  	_ =	shalt  }
0x66: {  	_ =	shalt  }
0x67: {  	_ =	shalt  }
0x68: {  	_ =	shalt  }
0x69: {  	_ =	shalt  }
0x6a: {  	_ =	shalt  }
0x6b: {  	_ =	shalt  }
0x6c: {  	_ =	shalt  }
0x6d: {  	_ =	shalt  }
0x6e: {  	_ =	shalt  }
0x6f: {  	_ =	shalt  }
0x70: {  	_ =	shalt  }
0x71: {  	_ =	shalt  }
0x72: {  	_ =	shalt  }
0x73: {  	_ =	shalt  }
0x74: {  	_ =	shalt  }
0x75: {  	_ =	shalt  }
0x76: {  	_ =	shalt  }
0x77: {  	_ =	shalt  }
0x78: {  	_ =	shalt  }
0x79: {  	_ =	shalt  }
0x7a: {  	_ =	shalt  }
0x7b: {  	_ =	shalt  }
0x7c: {  	_ =	shalt  }
0x7d: {  	_ =	shalt  }
0x7e: {  	_ =	shalt  }
0x7f: {  	_ =	shalt  }
0x80: {  	_ =	shalt  }
0x81: {  	_ =	shalt  }
0x82: {  	_ =	shalt  }
0x83: {  	_ =	shalt  }
0x84: {  	_ =	shalt  }
0x85: {  	_ =	shalt  }
0x86: {  	_ =	shalt  }
0x87: {  	_ =	shalt  }
.Lfunc_end0:
.L_simem_size_0:
called_computation_lowered:
.L_overlay_start_0:
0x88: {  	s2 =	sld [smem:$0x3FD9]  }
0x89: {  	s3 =	sld [smem:$0x3FFE];
	_ =	sdelay $0x1  }
0x8a: {  	s1 =	srdreg.scid  }
0x8b: {  	s0 =	sand.u32 $0x1, s1  }
0x8c: {  	s17 =	sshll.u32 s0, $0xA;
	s2 =	sadd.s32 s3, s2  }
0x8d: {  	s2 =	sadd.s32 s2, s17  }
0x8e: {  	[smem:$0x3FC3] =	sst s2  }
0x8f: {  	_ = 	snop  }
0x90: {  	s2 =	sld [smem:$0x3FD0];
	(tm) =	ssettm $0x1  }
0x91: {  	s18 =	sld [smem:$0x3FFB];
	_ =	sdelay $0x3  }
0x92: {  	_ =	strace s18  }
0x93: {  	s3 =	sld [smem:$0x3FFC];
	_ =	sdelay $0x3  }
0x94: {  	_ =	strace s3  }
0x95: {  	s3 =	sld [smem:$0x3FFD];
	_ =	sdelay $0x3  }
0x96: {  	_ =	strace s3  }
0x97: {  	_ =	strace $0x8FFFFFFF  }
0x98: {  	s19 =	sld [smem:$0x3FDB];
	_ =	sdelay $0x1  }
0x99: {  	s4 =	simm.s32 $_scs_section_size  }
0x9a: {  	s5 =	simm.s32 $_size__tile_overlayer_lowered;
	s6 =	simm.s32 $_tile_overlayer_lowered  }
0x9b: {  	s22 =	simm.s32 $0x1BFF;
	s21 =	sshll.u32 s6, $0x1;
	s3 =	sadd.s32 s4, s19  }
0x9c: {  	s7 =	simm.s32 $0x0;
	s20 =	sshll.u32 s5, $0x1;
	s5 =	sadd.s32 s21, s3  }
0x9d: {  	[timem:s7], [sflag:s22] =	dma.local [hbm:s5], s20  }
0x9e: {  	_ =	swait.ge [sflag:s22], s20  }
0x9f: {  	s4 =	ssub.s32 $0x0, s20;
	[sflag:s22] =	ssyncset.done $0x0  }
0xa0: {  	[sflag:s22] =	ssyncadd.s32 s4;
	_ =	sdelay $0x1  }
0xa1: {  	s23 =	simm.s32 $0x1B8B  }
0xa2: {  	_ =	swait.ge [sflag:s23], $0x1  }
0xa3: {  	[sflag:s23] =	ssyncset.done $0x0  }
0xa4: {  	s25 =	simm.s32 $0x1B8E;
	s24 =	sld [smem:$0x3FFE];
	[sflag:s23] =	ssyncadd.s32 $0xFFFFFFFF  }
0xa5: {  	s26 =	simm.s32 $execute0_lowered;
	[smem:$0x3FD2] =	sst s25  }
0xa6: {  	s5 =	sshll.u32 s26, $0x1;
	_ =	strace $0x80000046;
	[dreg:$0x1] =	wrdreg $0xFFFFFFFF  }
0xa7: {  	s28 =	simm.s32 $_size_execute0_lowered;
	s3 =	sadd.s32 s3, s5;
	[dreg:$0x0] =	wrdreg $0x0  }
0xa8: {  	s5 =	sshll.u32 s28, $0x1;
	[dreg:$0x2] =	wrdreg s3  }
0xa9: {  	[dreg:$0x3] =	wrdreg s5  }
0xaa: {  	[dreg:$0x4] =	wrdreg $0xC0  }
0xab: {  	_ =	task [dreg:s7], $0x5FFFF  }
0xac: {  	[dreg:$0x1] =	wrdreg $0xFFFFFFFF  }
0xad: {  	[dreg:$0x0] =	wrdreg $0x60  }
0xae: {  	[dreg:$0x2] =	wrdreg s24  }
0xaf: {  	[dreg:$0x3] =	wrdreg s2  }
0xb0: {  	[dreg:$0x4] =	wrdreg $0x9  }
0xb1: {  	_ =	task.clear_ibuf [dreg:s7], $0x5FFFF;
	_ =	strace $0x90000046  }
0xb2: {  	s29 =	simm.s32 $0x9;
	_ =	strace $0x80000048  }
0xb3: {  	_ =	swait.ge [sflag:s29], $0x1  }
0xb4: {  	[sflag:s29] =	ssyncadd.s32 $0xFFFFFFFF  }
0xb5: {  	_ =	strace $0x90000048  }
0xb6: {  	_ =	sfence  }
0xb7: {  	s30 =	sld [smem:$0x0];
	_ =	sdelay $0x2  }
0xb8: {  	s31 =	sshll.u32 s1, $0xD;
	s1 =	sshrl.u32 s1, $0x2  }
0xb9: {  	s3 =	sand.u32 $0x4000, s31;
	s1 =	sadd.s32 s1, s30  }
0xba: {  	s0 =	sor.u32 s3, s0;
	s1 =	sshll.u32 s1, $0x11  }
0xbb: {  	s0 =	sor.u32 s1, s0  }
0xbc: {  	s0 =	sadd.s32 $0x8F2B, s0  }
0xbd: {  	[sflag:s0] =	ssyncadd.remote.s32 $0x1  }
0xbe: {  	_ =	sfence.sel $0xFFFF  }
0xbf: {  	[dreg:$0x0] =	wrdreg $0xFFFFFFFF;
	(pc) =	sbr.abs _section_cstart, $3  }
0xc0: {  	[dreg:$0x1] =	wrdreg $0xFFFFFFFF  }
0xc1: {  	_ =	task.clear_ibuf [dreg:s7], $0x2FFFF;
	_ =	strace $0x9FFFFFFF  }
0xc2: {  	(tm) =	ssettm $0x7FFFFFFF  }
0xc3: {  	_ =	shalt  }
tec
execute0_lowered:
.L_overlay_start_1:
0x0: {  	(tag) =	ssettag $0x1  }
0x1: {  	s3 =	rddreg [dreg:$0x0]  }
0x2: {  	s8 =	rddreg [dreg:$0x1]  }
0x3: {  	s0 =	rddreg [dreg:$0x2]  }
0x4: {  	s4 =	srdreg.scid;
	s1 =	stileid.u32  }
0x5: {  	s2 =	simm.s32 $0x0;
	s12 =	simm.s32 $0x3000;
	s13 =	simm.s32 $0x4000  }
0x6: {  	s14 =	simm.s32 $0x5;
	s15 =	simm.s32 $0x1;
	s16 =	simm.s32 $0x2  }
0x7: {  	s17 =	simm.s32 $0x3;
	s18 =	simm.s32 $0x4;
	s19 =	simm.s32 $0x4080  }
0x8: {  	s20 =	simm.s32 $0x0;
	s4 =	sand.u32 $0x1, s4;
	s5 =	sshll.u32 s1, $0x1  }
0x9: {  	vm0 =	vcmask $0x2B28;
	[smem:$0x7FF] =	sst s2;
	s6 =	sor.u32 s4, s5;
	s4 =	ssub.s32 $0x2, s4  }
0xa: {  	v0 =	vimm.f32 $0.0e+00;
	v1 =	vlaneseq.u32;
	vm3 =	vcmask $0xF28;
	_ =	strace $0x80000047;
	s5 =	sshll.u32 s6, $0xB;
	s7 =	sshrl.u32 s4, $0x1  }
0xb: {  	vm4 =	vcmask $0x1328;
	vm5 =	vcmask $0x1324;
	vm6 =	vcmask $0x1320;
	s11 =	sshll.u32 s6, $0x2;
	s9 =	sadd.s32 s5, s3;
	s3 =	sadd.s32 $0x400, s3  }
0xc: {  	vm7 =	vcmask $0x131C;
	vm8 =	vcmask $0x1318;
	vm9 =	vcmask $0x314;
	s10 =	ssub.s32 s4, s7;
	s8 =	sadd.s32 s8, s11;
	s11 =	simm.s32 $0x1000  }
0xd: {  	vm10 =	vcmask $0x714;
	vm11 =	vcmask $0xB14;
	vm12 =	vcmask $0xF14;
	s4 =	sadd.s32 $0x600, s9;
	s5 =	sadd.s32 $0xA00, s9;
	s6 =	sadd.s32 $0x800, s9  }
0xe: {  	vm1 =	vcmask $0x328;
	vm2 =	vcmask $0x728;
	v0 =	vsel vm0, $0x3F800000, v0;
	s7 =	sadd.s32 $0xC00, s9;
	s9 =	smax.u32 s10, $0x1;
	s10 =	simm.s32 $0x2000  }
.LBB2_1:
0xf: {  	[tilespmem:s2], [sflag:$0x1] =	stream.linear.gather [hbm4b:s4+s2], $0x1000, $0x38;
	[tilespmem:$0x4100] =	vst v63  }
0x10: {  	_ = 	snop  }
0x11: {  	[tilespmem:s10], [sflag:$0x2] =	stream.linear.gather [hbm4b:s5+s2], $0x1000, $0x38;
	[tilespmem:$0x4100] =	vst v63  }
0x12: {  	_ = 	snop  }
0x13: {  	[tilespmem:s11], [sflag:$0x3] =	stream.linear.gather [hbm4b:s6+s2], $0x1000, $0x38;
	[tilespmem:$0x4100] =	vst v63  }
0x14: {  	_ = 	snop  }
0x15: {  	[tilespmem:s12], [sflag:$0x4] =	stream.linear.gather [hbm4b:s7+s2], $0x1000, $0x38;
	[tilespmem:$0x4100] =	vst v63  }
0x16: {  	_ = 	snop  }
0x17: {  	[tilespmem:s13], [sflag:$0x5] =	stream.linear.gather [hbm4b:s3+s2], $0x80, $0x38;
	[tilespmem:$0x4100] =	vst v63  }
0x18: {  	_ =	swait.ge [sflag:s14], $0x80  }
0x19: {  	[sflag:s14] =	ssyncset.done $0x0  }
0x1a: {  	[sflag:s14] =	ssyncadd.s32 $0xFFFFFF80  }
0x1b: {  	_ =	swait.ge [sflag:s15], $0x1000  }
0x1c: {  	[sflag:s15] =	ssyncset.done $0x0  }
0x1d: {  	[sflag:s15] =	ssyncadd.s32 $0xFFFFF000  }
0x1e: {  	_ =	swait.ge [sflag:s16], $0x1000  }
0x1f: {  	[sflag:s16] =	ssyncset.done $0x0  }
0x20: {  	[sflag:s16] =	ssyncadd.s32 $0xFFFFF000  }
0x21: {  	s21 =	sand.u32 $0xFC0, s2;
	v8 =	vld [tilespmem:s2+$0x0]  }
0x22: {  	v2 =	vld [tilespmem:s21+$0x2000];
	_ =	sdelay $0x2  }
0x23: {  	v16 =	vimm.f32 $-Inf;
	v3 =	vld [tilespmem:s2+$0x2010]  }
0x24: {  	v9 =	vimm.f32 $+Inf;
	v12 =	vmax.f32 v16, v8;
	v6 =	vmin.f32 v16, v8  }
0x25: {  	v10 =	vmin.f32 v9, v8;
	v5 =	vmax.f32 v16, v2;
	v7 =	vmin.f32 v16, v2  }
0x26: {  	v4 =	vld [tilespmem:s2+$0x2020];
	v13 =	vmin.f32 v9, v2;
	v2 =	vmax.f32 v9, v2;
	v8 =	vmax.f32 v9, v8  }
0x27: {  	v11 =	vmax.f32 v16, v7;
	v14 =	vmin.f32 v16, v6;
	v15 =	vmin.f32 v9, v2  }
0x28: {  	v17 =	vmax.f32 v9, v2;
	v20 =	vmin.f32 v5, v3;
	v21 =	vmin.f32 v13, v3  }
0x29: {  	v19 =	vld [tilespmem:s2+$0x2030];
	v7 =	vmin.f32 v16, v7;
	v5 =	vmax.f32 v5, v3;
	v3 =	vmax.f32 v13, v3  }
0x2a: {  	v18 =	vmin.f32 v16, v14;
	v23 =	vmax.f32 v11, v20;
	v24 =	vmax.f32 v16, v7  }
0x2b: {  	v25 =	vmin.f32 v21, v4;
	v31 =	vmax.f32 v5, v4;
	v11 =	vmin.f32 v11, v20  }
0x2c: {  	v13 =	vmax.f32 v15, v3;
	v20 =	vmax.f32 v9, v17;
	v30 =	vmax.f32 v16, v14  }
0x2d: {  	v3 =	vmin.f32 v15, v3;
	v17 =	vmin.f32 v9, v17;
	v22 =	vmax.f32 v16, v18  }
0x2e: {  	v2 =	vmin.f32 v25, v19;
	v32 =	vmin.f32 v16, v18;
	v18 =	vmin.f32 v16, v7  }
0x2f: {  	v28 =	vld [tilespmem:s2+$0x10];
	v7 =	vmax.f32 v21, v4;
	v4 =	vmin.f32 v5, v4;
	v14 =	vmax.f32 v24, v11  }
0x30: {  	v24 =	vmin.f32 v24, v11;
	v27 =	vmax.f32 v17, v13;
	v15 =	vmax.f32 v23, v4  }
0x31: {  	v21 =	vmax.f32 v3, v7;
	v26 =	vmin.f32 v16, v18;
	v4 =	vmin.f32 v23, v4  }
0x32: {  	v5 =	vmin.f32 v3, v7;
	v23 =	vmax.f32 v9, v20;
	v7 =	vmax.f32 v25, v19  }
0x33: {  	v20 =	vmin.f32 v9, v20;
	v3 =	vmin.f32 v31, v19;
	v33 =	vmax.f32 v5, v7  }
0x34: {  	v25 =	vmax.f32 v16, v26;
	v26 =	vmax.f32 v10, v28;
	v11 =	vmax.f32 v14, v4  }
0x35: {  	v29 =	vmin.f32 v15, v3;
	v14 =	vmin.f32 v14, v4;
	v4 =	vmax.f32 v15, v3  }
0x36: {  	v15 =	vmax.f32 v16, v6;
	v6 =	vmin.f32 v17, v13;
	v13 =	vmin.f32 v20, v27  }
0x37: {  	v17 =	vmax.f32 v16, v18;
	v18 =	vmax.f32 v20, v27;
	v10 =	vmin.f32 v10, v28  }
0x38: {  	v3 =	vmax.f32 v11, v29;
	v11 =	vmin.f32 v11, v29;
	v34 =	vmin.f32 v6, v21  }
0x39: {  	v6 =	vmax.f32 v6, v21;
	v21 =	vmin.f32 v9, v23;
	v23 =	vmax.f32 v17, v24  }
0x3a: {  	v35 =	vld [tilespmem:s2+$0x20];
	v20 =	vmax.f32 v13, v6;
	v13 =	vmin.f32 v13, v6;
	v18 =	vmin.f32 v21, v18  }
0x3b: {  	v27 =	vmin.f32 v23, v14;
	v29 =	vmax.f32 v34, v33;
	v21 =	vmin.f32 v17, v24  }
0x3c: {  	v17 =	vmax.f32 v23, v14;
	v23 =	vmin.f32 v9, v8;
	v8 =	vmax.f32 v9, v8  }
0x3d: {  	v6 =	vmin.f32 v13, v29;
	v14 =	vmax.f32 v25, v21;
	v18 =	vmin.f32 v18, v20  }
0x3e: {  	v21 =	vld [tilespmem:s2+$0x30];
	v20 =	vmin.f32 v9, v8;
	v8 =	vmax.f32 v9, v8;
	v24 =	vmax.f32 v13, v29  }
0x3f: {  	v25 =	vmax.f32 v23, v26;
	v29 =	vmax.f32 v10, v35;
	v23 =	vmin.f32 v23, v26  }
0x40: {  	v13 =	vmax.f32 v9, v8;
	v36 =	vmin.f32 v20, v25;
	v20 =	vmax.f32 v20, v25  }
0x41: {  	v25 =	vmin.f32 v9, v8;
	v9 =	vmin.f32 v9, v13;
	v13 =	vmax.f32 v23, v29  }
0x42: {  	v10 =	vmin.f32 v10, v35;
	v38 =	vmin.f32 v36, v13;
	v13 =	vmax.f32 v36, v13  }
0x43: {  	v37 =	vmax.f32 v10, v21;
	v8 =	vmin.f32 v10, v21;
	v10 =	vmin.f32 v25, v20  }
0x44: {  	v26 =	vmax.f32 v14, v27;
	v20 =	vmax.f32 v25, v20;
	v25 =	vmin.f32 v10, v13  }
0x45: {  	v36 =	vmax.f32 v10, v13;
	v20 =	vmin.f32 v9, v20;
	v10 =	vmin.f32 v23, v29  }
0x46: {  	v13 =	vmax.f32 v17, v11;
	v23 =	vmax.f32 v12, v28;
	v12 =	vmin.f32 v12, v28  }
0x47: {  	v9 =	vmin.f32 v10, v37;
	v14 =	vmax.f32 v10, v37;
	v28 =	vmin.f32 v15, v12  }
0x48: {  	v29 =	vmax.f32 v23, v35;
	v62 =	vmax.f32 v15, v12;
	v23 =	vmin.f32 v23, v35  }
0x49: {  	v15 =	vmin.f32 v34, v33;
	v10 =	vmin.f32 v38, v14;
	v27 =	vmax.f32 v38, v14  }
0x4a: {  	v14 =	vmin.f32 v18, v24;
	v24 =	vmin.f32 v20, v36;
	v12 =	vmin.f32 v30, v28  }
0x4b: {  	v20 =	vmin.f32 v29, v21;
	v63 =	vmax.f32 v30, v28;
	v28 =	vmax.f32 v62, v23  }
0x4c: {  	v23 =	vmin.f32 v62, v23;
	v61 =	vmax.f32 v25, v27;
	v18 =	vmax.f32 v22, v12  }
0x4d: {  	v30 =	vmin.f32 v22, v12;
	v22 =	vmax.f32 v31, v19;
	v19 =	vmax.f32 v16, v32  }
0x4e: {  	s22 =	simm.s32 $0x40;
	s23 =	simm.s32 $0x40;
	s21 =	simm.s32 $0x0;
	v16 =	vmax.f32 v63, v23;
	v23 =	vmin.f32 v63, v23;
	v12 =	vmin.f32 v24, v61  }
.LBB2_2:
0x4f: {  	v31 =	vld [tilespmem:s23+$0x0];
	s24 =	sand.u32 $0xFC0, s22;
	s21 =	sadd.s32 $0x4, s21;
	v21 =	vmax.f32 v29, v21;
	v24 =	vmin.f32 v28, v20;
	v11 =	vmin.f32 v17, v11  }
0x50: {  	v29 =	vmax.f32 v18, v23;
	v23 =	vmin.f32 v18, v23;
	v17 =	vld [tilespmem:s24+$0x2000];
	p0 =	slt.u32 s21, $0xFC;
	v11 =	vmax.f32 v26, v11  }
0x51: {  	v19 =	vmax.f32 v19, v30;
	v25 =	vmin.f32 v25, v27;
	v5 =	vmin.f32 v5, v7;
	v18 =	vld [tilespmem:s23+$0x10]  }
0x52: {  	v26 =	vmax.f32 v28, v20;
	v27 =	vmax.f32 v16, v24;
	v16 =	vmin.f32 v16, v24;
	v7 =	vld [tilespmem:s23+$0x2010]  }
0x53: {  	v23 =	vmax.f32 v19, v23;
	v24 =	vmax.f32 v29, v16;
	v16 =	vmin.f32 v29, v16  }
0x54: {  	v20 =	vmax.f32 v21, v31;
	v21 =	vmin.f32 v21, v31;
	v28 =	vmin.f32 v8, v31;
	v29 =	vld [tilespmem:s23+$0x2020]  }
0x55: {  	v16 =	vmax.f32 v23, v16;
	v30 =	vmax.f32 v22, v17;
	v32 =	vmin.f32 v22, v17;
	v19 =	vld [tilespmem:s23+$0x2030]  }
0x56: {  	v23 =	vmin.f32 v2, v17;
	v2 =	vmax.f32 v2, v17;
	v33 =	vmax.f32 v4, v32  }
0x57: {  	v17 =	vmin.f32 v26, v21;
	v34 =	vmin.f32 v5, v2;
	v35 =	vmax.f32 v5, v2  }
0x58: {  	v5 =	vmin.f32 v27, v17;
	v36 =	vmin.f32 v30, v7;
	v37 =	vmin.f32 v23, v7  }
0x59: {  	v4 =	vmin.f32 v4, v32;
	v22 =	vmax.f32 v24, v5;
	v32 =	vmax.f32 v33, v36  }
0x5a: {  	v38 =	vmax.f32 v3, v4;
	v30 =	vmax.f32 v30, v7;
	v39 =	vmin.f32 v37, v29  }
0x5b: {  	v7 =	vmax.f32 v23, v7;
	v23 =	vmax.f32 v30, v29;
	v2 =	vmin.f32 v39, v19  }
0x5c: {  	v24 =	vmin.f32 v24, v5;
	v33 =	vmin.f32 v33, v36;
	v36 =	vmax.f32 v34, v7  }
0x5d: {  	v40 =	vmin.f32 v3, v4;
	v3 =	vmax.f32 v15, v35;
	v4 =	vmax.f32 v37, v29  }
0x5e: {  	v5 =	vmin.f32 v34, v7;
	v37 =	vmax.f32 v27, v17;
	v7 =	vmin.f32 v30, v29  }
0x5f: {  	v17 =	vmax.f32 v38, v33;
	v27 =	vmax.f32 v32, v7;
	v29 =	vmax.f32 v5, v4  }
0x60: {  	v30 =	vmin.f32 v13, v40;
	v32 =	vmin.f32 v32, v7;
	v5 =	vmin.f32 v5, v4  }
0x61: {  	v15 =	vmin.f32 v15, v35;
	v34 =	vmax.f32 v6, v3;
	v7 =	vmax.f32 v39, v19  }
0x62: {  	v6 =	vmin.f32 v6, v3;
	v33 =	vmin.f32 v38, v33;
	v35 =	vmax.f32 v5, v7  }
0x63: {  	v38 =	vmax.f32 v28, v18;
	v30 =	vmax.f32 v11, v30;
	v3 =	vmin.f32 v23, v19  }
0x64: {  	v39 =	vmax.f32 v15, v36;
	v11 =	vmax.f32 v17, v32;
	v41 =	vmin.f32 v27, v3  }
0x65: {  	v17 =	vmin.f32 v17, v32;
	v4 =	vmax.f32 v27, v3;
	v3 =	vmax.f32 v11, v41  }
0x66: {  	v15 =	vmin.f32 v15, v36;
	v32 =	vmax.f32 v26, v21;
	v11 =	vmin.f32 v11, v41  }
0x67: {  	v21 =	vmin.f32 v6, v39;
	v36 =	vmin.f32 v15, v29;
	v15 =	vmax.f32 v15, v29  }
0x68: {  	v13 =	vmax.f32 v13, v40;
	v6 =	vmax.f32 v6, v39;
	v26 =	vmax.f32 v21, v15  }
0x69: {  	v14 =	vmin.f32 v14, v34;
	v27 =	vmax.f32 v13, v33;
	v15 =	vmin.f32 v21, v15  }
0x6a: {  	v14 =	vmin.f32 v14, v6;
	v29 =	vmin.f32 v27, v17;
	v39 =	vmax.f32 v36, v35;
	v34 =	vld [tilespmem:s23+$0x20]  }
0x6b: {  	v13 =	vmin.f32 v13, v33;
	v17 =	vmax.f32 v27, v17;
	v6 =	vmin.f32 v15, v39  }
0x6c: {  	v8 =	vmax.f32 v8, v31;
	v27 =	vmin.f32 v28, v18;
	v13 =	vmax.f32 v30, v13;
	v21 =	vld [tilespmem:s23+$0x30]  }
0x6d: {  	v28 =	vmin.f32 v9, v8;
	v8 =	vmax.f32 v9, v8;
	v14 =	vmin.f32 v14, v26  }
0x6e: {  	v9 =	vmin.f32 v10, v8;
	v8 =	vmax.f32 v10, v8;
	v15 =	vmax.f32 v15, v39  }
0x6f: {  	v26 =	vmax.f32 v28, v38;
	v10 =	vmax.f32 v25, v8;
	v30 =	vmax.f32 v27, v34  }
0x70: {  	v31 =	vmin.f32 v9, v26;
	v9 =	vmax.f32 v9, v26;
	v26 =	vmin.f32 v27, v34  }
0x71: {  	v25 =	vmin.f32 v25, v8;
	v27 =	vmin.f32 v28, v38;
	v28 =	vmax.f32 v26, v21  }
0x72: {  	v10 =	vmin.f32 v12, v10;
	v12 =	vmax.f32 v27, v30;
	v8 =	vmin.f32 v26, v21  }
0x73: {  	v26 =	vmin.f32 v25, v9;
	v33 =	vmin.f32 v31, v12;
	v12 =	vmax.f32 v31, v12  }
0x74: {  	v9 =	vmax.f32 v25, v9;
	v25 =	vmin.f32 v26, v12;
	v12 =	vmax.f32 v26, v12  }
0x75: {  	v31 =	vmin.f32 v10, v9;
	v10 =	vmin.f32 v27, v30;
	v26 =	vmax.f32 v13, v29  }
0x76: {  	v13 =	vmax.f32 v17, v11;
	v9 =	vmin.f32 v10, v28;
	v27 =	vmax.f32 v10, v28  }
0x77: {  	v14 =	vmin.f32 v14, v15;
	v10 =	vmin.f32 v33, v27;
	v27 =	vmax.f32 v33, v27  }
0x78: {  	v15 =	vmax.f32 v20, v18;
	v18 =	vmin.f32 v20, v18;
	v12 =	vmin.f32 v31, v12  }
0x79: {  	v29 =	vmax.f32 v15, v34;
	v28 =	vmin.f32 v32, v18;
	v31 =	vmax.f32 v25, v27  }
.Ltmp0:
0x7a: {  	v32 =	vmax.f32 v32, v18;
	v20 =	vmin.f32 v29, v21;
	v30 =	vmin.f32 v37, v28;
	(pc) =	sbr.rel @p0 .LBB2_2-.Ltmp0, $4  }
0x7b: {  	v33 =	vmin.f32 v15, v34;
	v15 =	vmin.f32 v36, v35;
	v18 =	vmax.f32 v22, v30  }
0x7c: {  	v34 =	vmax.f32 v37, v28;
	v30 =	vmin.f32 v22, v30;
	v12 =	vmin.f32 v12, v31  }
0x7d: {  	v28 =	vmax.f32 v32, v33;
	v22 =	vmax.f32 v23, v19;
	v31 =	vmin.f32 v32, v33  }
0x7e: {  	s22 =	sadd.s32 $0x40, s22;
	s23 =	sadd.s32 $0x40, s23;
	v19 =	vmax.f32 v16, v24;
	v16 =	vmax.f32 v34, v31;
	v23 =	vmin.f32 v34, v31  }
0x7f: {  	_ =	swait.ge [sflag:s17], $0x1000  }
0x80: {  	[sflag:s17] =	ssyncset.done $0x0  }
0x81: {  	[sflag:s17] =	ssyncadd.s32 $0xFFFFF000  }
0x82: {  	_ =	swait.ge [sflag:s18], $0x1000  }
0x83: {  	[sflag:s18] =	ssyncset.done $0x0  }
0x84: {  	s22 =	simm.s32 $0x1000;
	s21 =	simm.s32 $0x3010;
	[sflag:s18] =	ssyncadd.s32 $0xFFFFF000  }
0x85: {  	v21 =	vmax.f32 v29, v21;
	v24 =	vmin.f32 v28, v20;
	v11 =	vmin.f32 v17, v11;
	s22 =	sand.u32 $0x1FC0, s22;
	v17 =	vld [tilespmem:s21+$0xFFFFDFF0]  }
0x86: {  	v29 =	vmax.f32 v18, v23;
	v18 =	vmin.f32 v18, v23;
	v19 =	vmax.f32 v19, v30;
	v23 =	vld [tilespmem:s22+$0x2000]  }
0x87: {  	v5 =	vmin.f32 v5, v7;
	v20 =	vmax.f32 v28, v20;
	v11 =	vmax.f32 v26, v11  }
0x88: {  	v26 =	vmin.f32 v25, v27;
	v7 =	vmax.f32 v16, v24;
	v16 =	vmin.f32 v16, v24  }
0x89: {  	v18 =	vmax.f32 v19, v18;
	v24 =	vmax.f32 v29, v16;
	v16 =	vmin.f32 v29, v16;
	v25 =	vld [tilespmem:s21+$0x0]  }
0x8a: {  	v19 =	vmax.f32 v18, v16;
	v16 =	vmax.f32 v21, v17;
	v18 =	vmin.f32 v21, v17  }
0x8b: {  	v56 =	vld [tilespmem:s21+$0xFFFFE000];
	v21 =	vmin.f32 v8, v17;
	v28 =	vmax.f32 v22, v23;
	v22 =	vmin.f32 v22, v23  }
0x8c: {  	v27 =	vld [tilespmem:s21+$0x10];
	v31 =	vmin.f32 v2, v23;
	v2 =	vmax.f32 v2, v23;
	v8 =	vmax.f32 v8, v17  }
0x8d: {  	v29 =	vmax.f32 v4, v22;
	v23 =	vmin.f32 v20, v18;
	v32 =	vmin.f32 v5, v2  }
0x8e: {  	v5 =	vmax.f32 v5, v2;
	v34 =	vmin.f32 v28, v25;
	v35 =	vmin.f32 v31, v25  }
0x8f: {  	v4 =	vmin.f32 v4, v22;
	v28 =	vmax.f32 v28, v25;
	v25 =	vmax.f32 v31, v25  }
0x90: {  	v30 =	vld [tilespmem:s21+$0x20];
	v59 =	vmax.f32 v21, v56;
	v17 =	vmin.f32 v21, v56;
	v33 =	vmin.f32 v7, v23  }
0x91: {  	v22 =	vmax.f32 v29, v34;
	v37 =	vmax.f32 v3, v4;
	v38 =	vmin.f32 v35, v27  }
0x92: {  	v31 =	vmax.f32 v28, v27;
	v3 =	vmin.f32 v3, v4;
	v55 =	vmax.f32 v15, v5  }
0x93: {  	v4 =	vmax.f32 v35, v27;
	v39 =	vmax.f32 v7, v23;
	v7 =	vmin.f32 v32, v25  }
0x94: {  	v23 =	vmin.f32 v28, v27;
	v15 =	vmin.f32 v15, v5;
	v36 =	vmax.f32 v24, v33  }
0x95: {  	v2 =	vmin.f32 v38, v30;
	v33 =	vmin.f32 v24, v33;
	v24 =	vmin.f32 v29, v34  }
0x96: {  	v29 =	vmax.f32 v32, v25;
	v27 =	vmax.f32 v22, v23;
	v28 =	vmax.f32 v7, v4  }
0x97: {  	v57 =	vmin.f32 v13, v3;
	v22 =	vmin.f32 v22, v23;
	v4 =	vmin.f32 v7, v4  }
0x98: {  	v23 =	vmax.f32 v6, v55;
	v5 =	vmax.f32 v38, v30;
	v34 =	vmin.f32 v6, v55  }
0x99: {  	v6 =	vmin.f32 v31, v30;
	v3 =	vmax.f32 v13, v3;
	v25 =	vmax.f32 v37, v24  }
0x9a: {  	v24 =	vmin.f32 v37, v24;
	v58 =	vmax.f32 v4, v5;
	v32 =	vmax.f32 v11, v57  }
0x9b: {  	v40 =	vmax.f32 v15, v29;
	v41 =	vmin.f32 v27, v6;
	v7 =	vmax.f32 v27, v6  }
0x9c: {  	v27 =	vmax.f32 v20, v18;
	v15 =	vmin.f32 v15, v29;
	v14 =	vmin.f32 v14, v23  }
0x9d: {  	v11 =	vmax.f32 v25, v22;
	v22 =	vmin.f32 v25, v22;
	v18 =	vmin.f32 v34, v40  }
0x9e: {  	v60 =	vld [tilespmem:s21+$0xFFFFE010];
	v29 =	vmin.f32 v15, v28;
	v15 =	vmax.f32 v15, v28;
	v13 =	vmax.f32 v34, v40  }
0x9f: {  	v23 =	vmax.f32 v3, v24;
	v24 =	vmin.f32 v3, v24;
	v6 =	vmax.f32 v11, v41  }
0xa0: {  	v11 =	vmin.f32 v11, v41;
	v20 =	vmax.f32 v18, v15;
	v15 =	vmin.f32 v18, v15  }
0xa1: {  	v14 =	vmin.f32 v14, v13;
	v28 =	vmin.f32 v23, v22;
	v18 =	vmax.f32 v29, v58  }
0xa2: {  	v13 =	vmax.f32 v23, v22;
	v21 =	vmax.f32 v32, v24;
	v22 =	vmin.f32 v9, v8  }
0xa3: {  	v25 =	vld [tilespmem:s21+$0xFFFFE020];
	v8 =	vmax.f32 v9, v8;
	v23 =	vmax.f32 v17, v60;
	v3 =	vmin.f32 v15, v18  }
0xa4: {  	v20 =	vmin.f32 v14, v20;
	v9 =	vmin.f32 v10, v8;
	v8 =	vmax.f32 v10, v8  }
0xa5: {  	v15 =	vmax.f32 v15, v18;
	v14 =	vmax.f32 v22, v59;
	v10 =	vmax.f32 v26, v8  }
0xa6: {  	v18 =	vmin.f32 v9, v14;
	v9 =	vmax.f32 v9, v14;
	v14 =	vmin.f32 v17, v60  }
0xa7: {  	v8 =	vmin.f32 v26, v8;
	v17 =	vmin.f32 v22, v59;
	v12 =	vmin.f32 v12, v10  }
0xa8: {  	v24 =	vmax.f32 v17, v23;
	v22 =	vmax.f32 v14, v25;
	v10 =	vmin.f32 v14, v25  }
0xa9: {  	v14 =	vmin.f32 v8, v9;
	v26 =	vmin.f32 v18, v24;
	v24 =	vmax.f32 v18, v24  }
0xaa: {  	v8 =	vmax.f32 v8, v9;
	v9 =	vmax.f32 v13, v11;
	v18 =	vmin.f32 v14, v24  }
0xab: {  	v24 =	vmax.f32 v14, v24;
	v61 =	vmin.f32 v12, v8;
	v8 =	vmin.f32 v17, v23  }
0xac: {  	v17 =	vmax.f32 v21, v28;
	v14 =	vmin.f32 v8, v22;
	v8 =	vmax.f32 v8, v22  }
0xad: {  	v21 =	vmin.f32 v61, v24;
	v12 =	vmin.f32 v26, v8;
	v23 =	vmax.f32 v26, v8  }
0xae: {  	v8 =	vmin.f32 v20, v15;
	v15 =	vmax.f32 v16, v56;
	v16 =	vmin.f32 v16, v56  }
0xaf: {  	v24 =	vmin.f32 v27, v16;
	v20 =	vmax.f32 v15, v60;
	v26 =	vmax.f32 v18, v23  }
0xb0: {  	v27 =	vmax.f32 v27, v16;
	v62 =	vmin.f32 v15, v60;
	v15 =	vmin.f32 v29, v58  }
0xb1: {  	v16 =	vmin.f32 v39, v24;
	v22 =	vmin.f32 v20, v25;
	v63 =	vmax.f32 v39, v24  }
0xb2: {  	v29 =	vmax.f32 v27, v62;
	v32 =	vmin.f32 v27, v62;
	v28 =	vmax.f32 v36, v16  }
0xb3: {  	v24 =	vmin.f32 v36, v16;
	v16 =	vmin.f32 v21, v26;
	v21 =	vmax.f32 v31, v30  }
0xb4: {  	s23 =	simm.s32 $0x3050;
	s22 =	simm.s32 $0x1040;
	s21 =	simm.s32 $0x100;
	v26 =	vmax.f32 v19, v33;
	v27 =	vmax.f32 v63, v32;
	v30 =	vmin.f32 v63, v32  }
.LBB2_4:
0xb5: {  	v31 =	vld [tilespmem:s23+$0xFFFFDFF0];
	s24 =	sand.u32 $0x1FC0, s22;
	s21 =	sadd.s32 $0x4, s21;
	v19 =	vmax.f32 v20, v25;
	v25 =	vmin.f32 v29, v22;
	v11 =	vmin.f32 v13, v11  }
0xb6: {  	v32 =	vmax.f32 v28, v30;
	v28 =	vmin.f32 v28, v30;
	v13 =	vld [tilespmem:s24+$0x2000];
	p0 =	slt.u32 s21, $0x1FC;
	v11 =	vmax.f32 v17, v11  }
0xb7: {  	v24 =	vmax.f32 v26, v24;
	v4 =	vmin.f32 v4, v5;
	v17 =	vmin.f32 v18, v23;
	v20 =	vld [tilespmem:s23+$0xFFFFE000]  }
0xb8: {  	v18 =	vmax.f32 v29, v22;
	v23 =	vmax.f32 v27, v25;
	v22 =	vmin.f32 v27, v25;
	v5 =	vld [tilespmem:s23+$0x0]  }
0xb9: {  	v24 =	vmax.f32 v24, v28;
	v25 =	vmax.f32 v32, v22;
	v26 =	vmin.f32 v32, v22  }
0xba: {  	v22 =	vmax.f32 v19, v31;
	v28 =	vmin.f32 v19, v31;
	v29 =	vmin.f32 v10, v31;
	v30 =	vld [tilespmem:s23+$0x10]  }
0xbb: {  	v19 =	vmax.f32 v24, v26;
	v27 =	vmax.f32 v21, v13;
	v32 =	vmin.f32 v21, v13;
	v21 =	vld [tilespmem:s23+$0x20]  }
0xbc: {  	v26 =	vmin.f32 v2, v13;
	v2 =	vmax.f32 v2, v13;
	v33 =	vmax.f32 v7, v32  }
0xbd: {  	v13 =	vmin.f32 v18, v28;
	v34 =	vmin.f32 v4, v2;
	v35 =	vmax.f32 v4, v2  }
0xbe: {  	v4 =	vmin.f32 v23, v13;
	v36 =	vmin.f32 v27, v5;
	v37 =	vmin.f32 v26, v5  }
0xbf: {  	v7 =	vmin.f32 v7, v32;
	v24 =	vmax.f32 v25, v4;
	v32 =	vmax.f32 v33, v36  }
0xc0: {  	v38 =	vmax.f32 v6, v7;
	v39 =	vmax.f32 v27, v5;
	v40 =	vmin.f32 v37, v30  }
0xc1: {  	v5 =	vmax.f32 v26, v5;
	v26 =	vmax.f32 v39, v30;
	v2 =	vmin.f32 v40, v21  }
0xc2: {  	v27 =	vmin.f32 v25, v4;
	v25 =	vmin.f32 v33, v36;
	v33 =	vmax.f32 v34, v5  }
0xc3: {  	v36 =	vmin.f32 v6, v7;
	v6 =	vmax.f32 v15, v35;
	v4 =	vmax.f32 v37, v30  }
0xc4: {  	v5 =	vmin.f32 v34, v5;
	v37 =	vmax.f32 v23, v13;
	v7 =	vmin.f32 v39, v30  }
0xc5: {  	v13 =	vmax.f32 v38, v25;
	v23 =	vmax.f32 v32, v7;
	v30 =	vmax.f32 v5, v4  }
0xc6: {  	v34 =	vmin.f32 v9, v36;
	v7 =	vmin.f32 v32, v7;
	v4 =	vmin.f32 v5, v4  }
0xc7: {  	v15 =	vmin.f32 v15, v35;
	v32 =	vmax.f32 v3, v6;
	v5 =	vmax.f32 v40, v21  }
0xc8: {  	v25 =	vmin.f32 v38, v25;
	v3 =	vmin.f32 v3, v6;
	v35 =	vmax.f32 v4, v5  }
0xc9: {  	v38 =	vmax.f32 v29, v20;
	v34 =	vmax.f32 v11, v34;
	v6 =	vmin.f32 v26, v21  }
0xca: {  	v39 =	vmax.f32 v15, v33;
	v11 =	vmax.f32 v13, v7;
	v40 =	vmin.f32 v23, v6  }
0xcb: {  	v13 =	vmin.f32 v13, v7;
	v7 =	vmax.f32 v23, v6;
	v6 =	vmax.f32 v11, v40  }
0xcc: {  	v28 =	vmax.f32 v18, v28;
	v15 =	vmin.f32 v15, v33;
	v11 =	vmin.f32 v11, v40  }
0xcd: {  	v18 =	vmin.f32 v3, v39;
	v33 =	vmin.f32 v15, v30;
	v15 =	vmax.f32 v15, v30  }
0xce: {  	v9 =	vmax.f32 v9, v36;
	v3 =	vmax.f32 v3, v39;
	v23 =	vmax.f32 v18, v15  }
0xcf: {  	v8 =	vmin.f32 v8, v32;
	v30 =	vmax.f32 v9, v25;
	v15 =	vmin.f32 v18, v15  }
0xd0: {  	v8 =	vmin.f32 v8, v3;
	v36 =	vmin.f32 v30, v13;
	v18 =	vmax.f32 v33, v35;
	v32 =	vld [tilespmem:s23+$0xFFFFE010]  }
0xd1: {  	v9 =	vmin.f32 v9, v25;
	v13 =	vmax.f32 v30, v13;
	v3 =	vmin.f32 v15, v18  }
0xd2: {  	v10 =	vmax.f32 v10, v31;
	v29 =	vmin.f32 v29, v20;
	v9 =	vmax.f32 v34, v9;
	v25 =	vld [tilespmem:s23+$0xFFFFE020]  }
0xd3: {  	v30 =	vmin.f32 v14, v10;
	v10 =	vmax.f32 v14, v10;
	v8 =	vmin.f32 v8, v23  }
0xd4: {  	v14 =	vmin.f32 v12, v10;
	v10 =	vmax.f32 v12, v10;
	v15 =	vmax.f32 v15, v18  }
0xd5: {  	v18 =	vmax.f32 v30, v38;
	v12 =	vmax.f32 v17, v10;
	v23 =	vmax.f32 v29, v32  }
0xd6: {  	v31 =	vmin.f32 v14, v18;
	v14 =	vmax.f32 v14, v18;
	v18 =	vmin.f32 v29, v32  }
0xd7: {  	v17 =	vmin.f32 v17, v10;
	v29 =	vmin.f32 v30, v38;
	v30 =	vmax.f32 v18, v25  }
0xd8: {  	v12 =	vmin.f32 v16, v12;
	v16 =	vmax.f32 v29, v23;
	v10 =	vmin.f32 v18, v25  }
0xd9: {  	v34 =	vmin.f32 v17, v14;
	v38 =	vmin.f32 v31, v16;
	v16 =	vmax.f32 v31, v16  }
0xda: {  	v14 =	vmax.f32 v17, v14;
	v18 =	vmin.f32 v34, v16;
	v16 =	vmax.f32 v34, v16  }
0xdb: {  	v17 =	vmax.f32 v9, v36;
	v31 =	vmin.f32 v12, v14;
	v12 =	vmin.f32 v29, v23  }
0xdc: {  	v9 =	vmax.f32 v13, v11;
	v14 =	vmin.f32 v12, v30;
	v23 =	vmax.f32 v12, v30  }
0xdd: {  	v8 =	vmin.f32 v8, v15;
	v12 =	vmin.f32 v38, v23;
	v23 =	vmax.f32 v38, v23  }
0xde: {  	v15 =	vmax.f32 v22, v20;
	v22 =	vmin.f32 v22, v20;
	v16 =	vmin.f32 v31, v16  }
0xdf: {  	v20 =	vmax.f32 v15, v32;
	v29 =	vmin.f32 v28, v22;
	v30 =	vmax.f32 v18, v23  }
.Ltmp1:
0xe0: {  	v34 =	vmin.f32 v37, v29;
	v31 =	vmax.f32 v28, v22;
	v22 =	vmin.f32 v20, v25;
	(pc) =	sbr.rel @p0 .LBB2_4-.Ltmp1, $4  }
0xe1: {  	v32 =	vmin.f32 v15, v32;
	v15 =	vmin.f32 v33, v35;
	v28 =	vmax.f32 v24, v34  }
0xe2: {  	v33 =	vmax.f32 v37, v29;
	v24 =	vmin.f32 v24, v34;
	v16 =	vmin.f32 v16, v30  }
0xe3: {  	v21 =	vmax.f32 v26, v21;
	v29 =	vmax.f32 v31, v32;
	v30 =	vmin.f32 v31, v32  }
0xe4: {  	s22 =	sadd.s32 $0x40, s22;
	v26 =	vmax.f32 v19, v27;
	s23 =	sadd.s32 $0x40, s23;
	v27 =	vmax.f32 v33, v30;
	v30 =	vmin.f32 v33, v30  }
0xe5: {  	v20 =	vmax.f32 v20, v25  }
0xe6: {  	(xrf0) =	vmax.scan.msk.f32 $0xffff, v20;
	_ =	sdelay $0x5  }
0xe7: {  	v19, _, _ =	vpop (xrf0)  }
0xe8: {  	v19 =	vbroadcast v19, $0xF;
	_ =	sdelay $0x1  }
0xe9: {  	vm13 =	veq.f32 v20, v19  }
0xea: {  	v61 =	vmctz.xlane vm13;
	_ =	sdelay $0x1  }
0xeb: {  	v31 =	vmax.f32 v29, v22;
	vm13 =	veq.s32 v61, v1  }
0xec: {  	v25 =	vsel vm13, v31, v20  }
0xed: {  	(xrf0) =	vmax.scan.msk.f32 $0xffff, v25;
	_ =	sdelay $0x5  }
0xee: {  	v62, _, _ =	vpop (xrf0)  }
0xef: {  	v20 =	vbroadcast v62, $0xF;
	_ =	sdelay $0x1  }
0xf0: {  	vm14 =	veq.f32 v25, v20  }
0xf1: {  	v63 =	vmin.f32 v29, v22;
	v36 =	vmctz.xlane vm14  }
0xf2: {  	v32 =	vmax.f32 v27, v63  }
0xf3: {  	v31 =	vsel vm13, v32, v31;
	vm14 =	veq.s32 v36, v1  }
0xf4: {  	v25 =	vsel vm14, v31, v25  }
0xf5: {  	(xrf0) =	vmax.scan.msk.f32 $0xffff, v25;
	_ =	sdelay $0x5  }
0xf6: {  	v37, _, _ =	vpop (xrf0)  }
0xf7: {  	v22 =	vbroadcast v37, $0xF;
	_ =	sdelay $0x1  }
0xf8: {  	v33 =	vmax.f32 v28, v30;
	v38 =	vmin.f32 v27, v63;
	vm15 =	veq.f32 v25, v22  }
0xf9: {  	v29 =	vmax.f32 v33, v38;
	v34 =	vmctz.xlane vm15  }
0xfa: {  	v32 =	vsel vm13, v29, v32  }
0xfb: {  	v31 =	vsel vm14, v32, v31;
	vm15 =	veq.s32 v34, v1  }
0xfc: {  	v25 =	vsel vm15, v31, v25  }
0xfd: {  	(xrf0) =	vmax.scan.msk.f32 $0xffff, v25;
	_ =	sdelay $0x5  }
0xfe: {  	v39, _, _ =	vpop (xrf0)  }
0xff: {  	v40 =	vmin.f32 v28, v30;
	v24 =	vmax.f32 v26, v24;
	v41 =	vbroadcast v39, $0xF  }
0x100: {  	v24 =	vmax.f32 v24, v40;
	v27 =	vmin.f32 v33, v38  }
0x101: {  	v24 =	vmax.f32 v24, v27;
	vm0 =	veq.f32 v25, v41  }
0x102: {  	v24 =	vsel vm13, v24, v29;
	v42 =	vmctz.xlane vm0  }
0x103: {  	v24 =	vsel vm14, v24, v32  }
0x104: {  	v24 =	vsel vm15, v24, v31;
	vm0 =	veq.s32 v42, v1  }
0x105: {  	v24 =	vsel vm0, v24, v25  }
0x106: {  	(xrf0) =	vmax.scan.msk.f32 $0xffff, v24  }
0x107: {  	(xrf0) =	vmin.scan.msk.f32 $0xffff, v10;
	_ =	sdelay $0x4  }
0x108: {  	v24, _, _ =	vpop (xrf0)  }
0x109: {  	v43, _, _ =	vpop (xrf0)  }
0x10a: {  	v25 =	vbroadcast v43, $0xF;
	_ =	sdelay $0x1  }
0x10b: {  	vm0 =	veq.f32 v10, v25  }
0x10c: {  	v44 =	vmctz.xlane vm0;
	_ =	sdelay $0x1  }
0x10d: {  	vm0 =	veq.s32 v44, v1  }
0x10e: {  	v45 =	vsel vm0, v14, v10  }
0x10f: {  	(xrf0) =	vmin.scan.msk.f32 $0xffff, v45;
	_ =	sdelay $0x5  }
0x110: {  	v46, _, _ =	vpop (xrf0)  }
0x111: {  	v27 =	vbroadcast v46, $0xF;
	_ =	sdelay $0x1  }
0x112: {  	vm13 =	veq.f32 v45, v27  }
0x113: {  	v47 =	vmctz.xlane vm13;
	_ =	sdelay $0x1  }
0x114: {  	v48 =	vsel vm0, v12, v14;
	vm13 =	veq.s32 v47, v1  }
0x115: {  	v10 =	vsel vm13, v48, v45  }
0x116: {  	(xrf0) =	vmin.scan.msk.f32 $0xffff, v10;
	_ =	sdelay $0x5  }
0x117: {  	v49, _, _ =	vpop (xrf0)  }
0x118: {  	v28 =	vbroadcast v49, $0xF;
	_ =	sdelay $0x1  }
0x119: {  	vm14 =	veq.f32 v10, v28  }
0x11a: {  	v18 =	vmin.f32 v18, v23;
	v50 =	vmctz.xlane vm14  }
0x11b: {  	v51 =	vsel vm0, v18, v12  }
0x11c: {  	v14 =	vsel vm13, v51, v48;
	vm14 =	veq.s32 v50, v1  }
0x11d: {  	v10 =	vsel vm14, v14, v10  }
0x11e: {  	(xrf0) =	vmin.scan.msk.f32 $0xffff, v10;
	_ =	sdelay $0x5  }
0x11f: {  	v52, _, _ =	vpop (xrf0)  }
0x120: {  	v23 =	vbroadcast v52, $0xF;
	_ =	sdelay $0x1  }
0x121: {  	vm15 =	veq.f32 v10, v23  }
0x122: {  	v16 =	vsel vm0, v16, v18;
	v53 =	vmctz.xlane vm15  }
0x123: {  	v12 =	vsel vm13, v16, v51  }
0x124: {  	v12 =	vsel vm14, v12, v14;
	vm0 =	veq.s32 v53, v1  }
0x125: {  	v10 =	vsel vm0, v12, v10  }
0x126: {  	(xrf0) =	vmin.scan.msk.f32 $0xffff, v10  }
0x127: {  	(xrf0) =	vmax.scan.msk.f32 $0xffff, v21;
	_ =	sdelay $0x4  }
0x128: {  	v10, _, _ =	vpop (xrf0)  }
0x129: {  	v54, _, _ =	vpop (xrf0)  }
0x12a: {  	v12 =	vbroadcast v54, $0xF;
	_ =	sdelay $0x1  }
0x12b: {  	vm0 =	veq.f32 v21, v12  }
0x12c: {  	v55 =	vmctz.xlane vm0;
	_ =	sdelay $0x1  }
0x12d: {  	vm0 =	veq.s32 v55, v1  }
0x12e: {  	v14 =	vsel vm0, v7, v21  }
0x12f: {  	(xrf0) =	vmax.scan.msk.f32 $0xffff, v14;
	_ =	sdelay $0x5  }
0x130: {  	v56, _, _ =	vpop (xrf0)  }
0x131: {  	v16 =	vbroadcast v56, $0xF;
	_ =	sdelay $0x1  }
0x132: {  	vm13 =	veq.f32 v14, v16  }
0x133: {  	v57 =	vmctz.xlane vm13;
	_ =	sdelay $0x1  }
0x134: {  	v58 =	vsel vm0, v6, v7;
	vm13 =	veq.s32 v57, v1  }
0x135: {  	v14 =	vsel vm13, v58, v14  }
0x136: {  	(xrf0) =	vmax.scan.msk.f32 $0xffff, v14;
	_ =	sdelay $0x5  }
0x137: {  	v59, _, _ =	vpop (xrf0)  }
0x138: {  	v18 =	vbroadcast v59, $0xF;
	_ =	sdelay $0x1  }
0x139: {  	vm14 =	veq.f32 v14, v18  }
0x13a: {  	v60 =	vmctz.xlane vm14  }
0x13b: {  	v61 =	vsel vm0, v9, v6  }
0x13c: {  	v7 =	vsel vm13, v61, v58;
	vm14 =	veq.s32 v60, v1  }
0x13d: {  	v14 =	vsel vm14, v7, v14  }
0x13e: {  	(xrf0) =	vmax.scan.msk.f32 $0xffff, v14;
	_ =	sdelay $0x5  }
0x13f: {  	v62, _, _ =	vpop (xrf0)  }
0x140: {  	v21 =	vbroadcast v62, $0xF  }
0x141: {  	v11 =	vmin.f32 v13, v11  }
0x142: {  	v11 =	vmax.f32 v17, v11;
	vm15 =	veq.f32 v14, v21  }
0x143: {  	v63 =	vsel vm0, v11, v9;
	v13 =	vmctz.xlane vm15  }
0x144: {  	v6 =	vsel vm13, v63, v61  }
0x145: {  	v6 =	vsel vm14, v6, v7;
	vm0 =	veq.s32 v13, v1  }
0x146: {  	v6 =	vsel vm0, v6, v14  }
0x147: {  	(xrf0) =	vmax.scan.msk.f32 $0xffff, v6  }
0x148: {  	(xrf0) =	vmin.scan.msk.f32 $0xffff, v2;
	_ =	sdelay $0x4  }
0x149: {  	v6, _, _ =	vpop (xrf0)  }
0x14a: {  	v14, _, _ =	vpop (xrf0)  }
0x14b: {  	v7 =	vbroadcast v14, $0xF;
	_ =	sdelay $0x1  }
0x14c: {  	vm0 =	veq.f32 v2, v7  }
0x14d: {  	v17 =	vmctz.xlane vm0;
	_ =	sdelay $0x1  }
0x14e: {  	v4 =	vmin.f32 v4, v5;
	vm0 =	veq.s32 v17, v1  }
0x14f: {  	v2 =	vsel vm0, v4, v2  }
0x150: {  	(xrf0) =	vmin.scan.msk.f32 $0xffff, v2;
	_ =	sdelay $0x5  }
0x151: {  	v29, _, _ =	vpop (xrf0)  }
0x152: {  	v5 =	vbroadcast v29, $0xF;
	_ =	sdelay $0x1  }
0x153: {  	vm13 =	veq.f32 v2, v5  }
0x154: {  	v30 =	vmctz.xlane vm13;
	_ =	sdelay $0x1  }
0x155: {  	v4 =	vsel vm0, v15, v4;
	vm14 =	veq.s32 v30, v1  }
0x156: {  	v2 =	vsel vm14, v4, v2  }
0x157: {  	(xrf0) =	vmin.scan.msk.f32 $0xffff, v2;
	_ =	sdelay $0x5  }
0x158: {  	v31, _, _ =	vpop (xrf0)  }
0x159: {  	v9 =	vbroadcast v31, $0xF;
	_ =	sdelay $0x1  }
0x15a: {  	vm13 =	veq.f32 v2, v9  }
0x15b: {  	v32 =	vmctz.xlane vm13  }
0x15c: {  	v33 =	vsel vm0, v3, v15  }
0x15d: {  	v4 =	vsel vm14, v33, v4;
	vm15 =	veq.s32 v32, v1  }
0x15e: {  	v2 =	vsel vm15, v4, v2  }
0x15f: {  	(xrf0) =	vmin.scan.msk.f32 $0xffff, v2;
	_ =	sdelay $0x5  }
0x160: {  	v34, _, _ =	vpop (xrf0)  }
0x161: {  	vm13 =	vmmov $0x1;
	v11 =	vbroadcast v34, $0xF  }
0x162: {  	v37 =	vbroadcast v24, $0xF;
	v3 =	vsel vm0, v8, v3;
	v35 =	vsel vm13, v19, v0  }
0x163: {  	v3 =	vsel vm14, v3, v33;
	v14 =	vsel vm1, v35, v20;
	vm0 =	veq.f32 v2, v11  }
0x164: {  	vm14 =	vcmask $0xB28;
	v14 =	vsel vm2, v14, v22;
	v36 =	vmctz.xlane vm0  }
0x165: {  	v38 =	vsel vm14, v14, v41  }
0x166: {  	v3 =	vsel vm15, v3, v4;
	v13 =	vsel vm3, v38, v37;
	vm0 =	veq.s32 v36, v1  }
0x167: {  	v39 =	vsel vm4, v13, v25;
	v2 =	vsel vm0, v3, v2  }
0x168: {  	v40 =	vld [tilespmem:$0x4000];
	v41 =	vsel vm13, v12, v0;
	v3 =	vsel vm5, v39, v27;
	(xrf0) =	vmin.scan.msk.f32 $0xffff, v2  }
0x169: {  	v8 =	vsel vm1, v41, v16;
	v2 =	vsel vm6, v3, v28;
	v3 =	vld [tilespmem:$0x4010]  }
0x16a: {  	v42 =	vld [tilespmem:$0x4020];
	v10 =	vbroadcast v10, $0xF;
	v6 =	vbroadcast v6, $0xF;
	v8 =	vsel vm2, v8, v18  }
0x16b: {  	v43 =	vld [tilespmem:$0x4030];
	v8 =	vsel vm14, v8, v21;
	v2 =	vsel vm7, v2, v23  }
0x16c: {  	v44 =	vld [tilespmem:$0x4040];
	v6 =	vsel vm3, v8, v6;
	v2 =	vsel vm8, v2, v10  }
0x16d: {  	v45 =	vld [tilespmem:$0x4000];
	v6 =	vsel vm4, v6, v7;
	v4 =	vmul.f32 v2, v40  }
0x16e: {  	v47 =	vld [tilespmem:$0x4010];
	v5 =	vsel vm5, v6, v5;
	v3 =	vmul.f32 v2, v3;
	v46, _, _ =	vpop (xrf0)  }
0x16f: {  	v49 =	vld [tilespmem:$0x4020];
	v5 =	vsel vm6, v5, v9;
	v48 =	vmul.f32 v2, v42;
	(xrf2) =	vadd.scan.msk.f32 $0xffff, v4;
	v6 =	vbroadcast v46, $0xF  }
0x170: {  	v50 =	vld [tilespmem:$0x4030];
	v5 =	vsel vm7, v5, v11;
	(xrf2) =	vadd.scan.msk.f32 $0xffff, v3;
	v3 =	vmul.f32 v2, v43  }
0x171: {  	v52 =	vld [tilespmem:$0x4040];
	v2 =	vmul.f32 v2, v44;
	(xrf2) =	vadd.scan.msk.f32 $0xffff, v48;
	v51 =	vsel vm8, v5, v6  }
0x172: {  	(xrf2) =	vadd.scan.msk.f32 $0xffff, v3;
	v3 =	vmul.f32 v51, v45  }
0x173: {  	(xrf2) =	vadd.scan.msk.f32 $0xffff, v2;
	v2 =	vmul.f32 v51, v47  }
0x174: {  	(xrf2) =	vadd.scan.msk.f32 $0xffff, v3;
	v3 =	vmul.f32 v51, v49  }
0x175: {  	(xrf2) =	vadd.scan.msk.f32 $0xffff, v2;
	v2 =	vmul.f32 v51, v50  }
0x176: {  	(xrf2) =	vadd.scan.msk.f32 $0xffff, v3;
	v3 =	vmul.f32 v51, v52  }
0x177: {  	(xrf2) =	vadd.scan.msk.f32 $0xffff, v2  }
0x178: {  	(xrf2) =	vadd.scan.msk.f32 $0xffff, v3  }
0x179: {  	v2, _, _ =	vpop (xrf2)  }
0x17a: {  	v3, _, _ =	vpop (xrf2)  }
0x17b: {  	v53, _, _ =	vpop (xrf2)  }
0x17c: {  	v2 =	vbroadcast v2, $0xF;
	v54, _, _ =	vpop (xrf2)  }
0x17d: {  	v3 =	vbroadcast v3, $0xF;
	v55, _, _ =	vpop (xrf2)  }
0x17e: {  	v2 =	vnsel vm13, $0x0, v2;
	v56, _, _ =	vpop (xrf2)  }
0x17f: {  	v4 =	vbroadcast v53, $0xF;
	v2 =	vsel vm9, v2, v3;
	v57, _, _ =	vpop (xrf2);
	v3 =	vbroadcast v56, $0xF  }
0x180: {  	v5 =	vbroadcast v54, $0xF;
	v58, _, _ =	vpop (xrf2);
	v59 =	vbroadcast v57, $0xF  }
0x181: {  	v2 =	vsel vm10, v2, v4;
	v60, _, _ =	vpop (xrf2);
	v3 =	vnsel vm13, $0x0, v3;
	v7 =	vbroadcast v58, $0xF  }
0x182: {  	v6 =	vbroadcast v55, $0xF;
	v3 =	vsel vm9, v3, v59;
	v61 =	vbroadcast v60, $0xF;
	v62, _, _ =	vpop (xrf2)  }
0x183: {  	v2 =	vsel vm11, v2, v5;
	v3 =	vsel vm10, v3, v7;
	v63 =	vbroadcast v62, $0xF  }
0x184: {  	s20 =	sadd.s32 $0x1, s20;
	v2 =	vsel vm12, v2, v6;
	v3 =	vsel vm11, v3, v61  }
0x185: {  	p0 =	sne.s32 s20, s9;
	[tilespmem:$0x4080] =	vst v2;
	v2 =	vsel vm12, v3, v63  }
.Ltmp2:
0x186: {  	[tilespmem:$0x4090] =	vst v2;
	(pc) =	sbr.rel @p0 .LBB2_1-.Ltmp2, $4  }
0x187: {  	[hbm4b:s8+s2] =	stream.linear.scatter [tilespmem:s19], [sflag:$0x5], $0x20, $0x38;
	[tilespmem:$0x4100] =	vst v63  }
0x188: {  	_ =	swait.ge [sflag:s14], $0x20  }
0x189: {  	[sflag:s14] =	ssyncset.done $0x0  }
0x18a: {  	[sflag:s14] =	ssyncadd.s32 $0xFFFFFFE0  }
0x18b: {  	_ =	sfence.sel $0x180000  }
0x18c: {  	[bflag:$0x0] =	sbarrier.arrive $0xFFFF  }
0x18d: {  	p0 =	sne.s32 s1, $0x0;
	_ =	strace $0x90000047  }
0x18e: {  	s0 =	sadd.s32 @!p0 $0x100000, s0;
	[bflag:$0x2] =	sbarrier.arrive $0xFFFF  }
0x18f: {  	[sflag:s0] =	ssyncadd.tile.s32 @!p0 $0x1;
	_ =	shalt  }
.Lfunc_end2:
_tile_overlayer_lowered:
.L_overlay_start_2:
0x190: {  	(tag) =	ssettag $0x2  }
0x191: {  	s0 =	rddreg [dreg:$0x0];
	s2 =	stileid.u32  }
0x192: {  	s1 =	rddreg [dreg:$0x1];
	p0 =	sne.s32 s2, $0x0  }
0x193: {  	s3 =	rddreg [dreg:$0x2];
	[bflag:$0x3] =	sbarrier.arrive $0xFFFF;
	s2 =	simm.s32 @!p0 $0x1C05  }
0x194: {  	[timem:s3], [sflag:s2] =	dma.local @!p0 [hbm:s0], s1  }
0x195: {  	s0 =	simm.s32 @!p0 $0x5  }
0x196: {  	_ =	swait.ge @!p0 [sflag:s0], s1  }
0x197: {  	s1 =	ssub.s32 @!p0 $0x0, s1;
	[sflag:s0] =	ssyncset.done @!p0 $0x0  }
0x198: {  	[sflag:s0] =	ssyncadd.s32 @!p0 s1  }
0x199: {  	[bflag:$0x3] =	sbarrier.arrive $0xFFFF  }
0x19a: {  	_ =	shalt  }

</sc_bundles>
